<compile_context>
chip_gen: v7x
topology: tpu7x:2x2x1
jax: 0.10.2.dev20260603
libtpu: 0.0.44.dev20260713+nightly
codegen_flags: <defaults>
</compile_context>

<pallas_src>
import jax
import jax.numpy as jnp
from jax import lax
from jax.experimental import pallas as pl
from jax.experimental.pallas import tpu as pltpu
from jax.experimental.pallas import tpu_sc as plsc

NUM_FEAT = 128
N_ROWS = 100000
NUM_CLASSES = 1000
C_PAD = 1024
BATCH = 1024
TEMP = 0.05
NC, NS = 2, 16
NW = NC * NS
CHUNK = 128
N_FULL = N_ROWS // CHUNK
N_TAIL = N_ROWS - N_FULL * CHUNK
N_BASE = N_FULL // NW
N_XTRA = N_FULL % NW
TGT_W = BATCH // NW
NB = 4


def _sc_body(feat_hbm, lab_hbm, lab2d_hbm, idx_hbm,
             sums_out, cnts_out, tgt_out,
             r0, r1, r2, r3, l0, l1, l2, l3, lblt_v, cnt_v, idxw_v, tgtw_v,
             rows16_v, zbuf_v,
             fs0, fs1, fs2, fs3, ls0, ls1, ls2, ls3, ss0, ss1, ss2, ss3,
             acc_sh):
    c = lax.axis_index("c")
    s = lax.axis_index("s")
    wid = s * NC + c

    rows = (r0, r1, r2, r3)
    lbl = (l0, l1, l2, l3)
    fsem = (fs0, fs1, fs2, fs3)
    lsem = (ls0, ls1, ls2, ls3)
    ssem = (ss0, ss1, ss2, ss3)

    zero16 = jnp.zeros((16,), jnp.float32)
    ones16 = jnp.ones((16,), jnp.float32)
    lane_iota = lax.iota(jnp.int32, 16)

    n_mine = N_BASE + jnp.where(wid < N_XTRA, 1, 0)

    def _fire(i, b):
        base = (wid + i * NW) * CHUNK
        pltpu.async_copy(feat_hbm.at[pl.ds(base, CHUNK), :], rows[b], fsem[b])
        pltpu.async_copy(lab_hbm.at[pl.ds(base, CHUNK)], lbl[b].at[0], lsem[b])

    def _wait_load(b):
        pltpu.make_async_copy(feat_hbm.at[pl.ds(0, CHUNK), :],
                              rows[b], fsem[b]).wait()
        pltpu.make_async_copy(lab_hbm.at[pl.ds(0, CHUNK)],
                              lbl[b].at[0], lsem[b]).wait()

    def _wait_scatter(b):
        pltpu.make_async_copy(rows[b], acc_sh.at[lbl[b].at[0]],
                              ssem[b]).wait()

    def _counts(b):
        for j in range(CHUNK // 16):
            lvec = lbl[b][0, pl.ds(j * 16, 16)]
            plsc.addupdate_scatter(cnt_v, [lane_iota * C_PAD + lvec], ones16)

    _fire(0, 0)
    _fire(1, 1)

    rz = C_PAD // NS

    def _zero_bufs(r, carry):
        for j in range(NUM_FEAT // 16):
            zbuf_v[r, pl.ds(j * 16, 16)] = zero16
        for j in range(16):
            cnt_v[pl.ds(r * 256 + j * 16, 16)] = zero16
        return carry

    lax.fori_loop(0, rz, _zero_bufs, 0)

    pltpu.sync_copy(zbuf_v, acc_sh.at[pl.ds(s * rz, rz), :])
    plsc.subcore_barrier()

    tb = wid * TGT_W
    pltpu.sync_copy(idx_hbm.at[pl.ds(tb, TGT_W)], idxw_v)
    for h in range(TGT_W // 16):
        iv = idxw_v[pl.ds(h * 16, 16)]
        rowv = lax.shift_right_logical(iv, 7)
        colv = lax.bitwise_and(iv, 127)
        pltpu.sync_copy(lab2d_hbm.at[rowv], rows16_v)
        tvec = plsc.load_gather(rows16_v, [lane_iota, colv])
        tgtw_v[pl.ds(h * 16, 16)] = tvec
    pltpu.sync_copy(tgtw_v, tgt_out.at[pl.ds(tb, TGT_W)])

    def _quad(g, carry):
        for sub in range(NB):
            i = NB * g + sub
            _wait_load(sub)
            pltpu.async_copy(rows[sub], acc_sh.at[lbl[sub].at[0]], ssem[sub],
                             add=True)
            _counts(sub)
            nxt = (sub + 2) % NB

            @pl.when(i >= 2)
            def _drain():
                _wait_scatter(nxt)

            @pl.when(i + 2 < n_mine)
            def _ahead():
                _fire(i + 2, nxt)
        return carry

    lax.fori_loop(0, N_BASE // NB, _quad, 0)

    @pl.when(wid < N_XTRA)
    def _extra():
        _wait_load(0)
        pltpu.async_copy(rows[0], acc_sh.at[lbl[0].at[0]], ssem[0], add=True)
        _counts(0)

    @pl.when(wid == NW - 1)
    def _tail():
        base = N_FULL * CHUNK
        pltpu.sync_copy(feat_hbm.at[pl.ds(base, N_TAIL), :],
                        r0.at[pl.ds(0, N_TAIL), :])
        pltpu.sync_copy(lab_hbm.at[pl.ds(base, N_TAIL)], lblt_v.at[0])
        pltpu.sync_copy(r0.at[pl.ds(0, N_TAIL), :],
                        acc_sh.at[lblt_v.at[0]], add=True)
        for j in range(N_TAIL // 16):
            lvec = lblt_v[0, pl.ds(j * 16, 16)]
            plsc.addupdate_scatter(cnt_v, [lane_iota * C_PAD + lvec], ones16)

    def _fold(k, carry):
        acc = cnt_v[pl.ds(k * 16, 16)]
        for j in range(1, 16):
            acc = acc + cnt_v[pl.ds(j * C_PAD + k * 16, 16)]
        cnt_v[pl.ds(k * 16, 16)] = acc
        return carry

    lax.fori_loop(0, C_PAD // 16, _fold, 0)

    _wait_scatter(2)
    _wait_scatter(3)

    @pl.when(wid < N_XTRA)
    def _drain0():
        _wait_scatter(0)

    pltpu.sync_copy(cnt_v.at[pl.ds(0, C_PAD)], cnts_out.at[wid])
    plsc.subcore_barrier()

    pltpu.sync_copy(acc_sh.at[pl.ds(s * rz, rz), :],
                    sums_out.at[pl.ds(c * C_PAD + s * rz, rz), :])


def _tc_body(sums_ref, cnts_ref, x_ref, y_ref, tgt_ref, back_ref, out_ref):
    f32 = jnp.float32
    s_all = sums_ref[...]
    cs = s_all[0:C_PAD] + s_all[C_PAD:2 * C_PAD]
    c3 = cnts_ref[...]
    cntrow = jnp.sum(c3, axis=0, keepdims=True)
    cio = lax.broadcasted_iota(jnp.int32, (1, C_PAD), 1)
    mask = jnp.logical_and(cntrow > 0.0, cio < NUM_CLASSES).astype(f32)
    denom = mask * cntrow + (1.0 - mask)

    x = x_ref[...]
    sim = lax.dot_general(x, cs, (((1,), (1,)), ((), ())),
                          preferred_element_type=f32)
    sim = sim * (1.0 / TEMP) / denom
    e = jnp.exp(sim) * mask
    ssum = jnp.sum(e, axis=1, keepdims=True) + 1e-6
    tgt = jnp.reshape(tgt_ref[...], (BATCH, 1))
    oh = (lax.broadcasted_iota(jnp.int32, (BATCH, C_PAD), 1)
          == tgt).astype(f32)
    p_t = jnp.sum(oh * e, axis=1, keepdims=True) / ssum
    focal = jnp.sum(-((1.0 - p_t) ** 4) * jnp.log(p_t + 1e-6)) / BATCH

    pickw = oh / denom
    picked = lax.dot_general(pickw, cs, (((1,), (0,)), ((), ())),
                             preferred_element_type=f32)
    y = y_ref[...]
    pn = picked / jnp.sqrt(jnp.sum(picked * picked, axis=1, keepdims=True))
    yn = y / jnp.sqrt(jnp.sum(y * y, axis=1, keepdims=True))
    memo = -jnp.sum(pn * yn) / BATCH
    xn = x / jnp.sqrt(jnp.sum(x * x, axis=1, keepdims=True))
    contra = -jnp.sum(xn * yn) / BATCH

    out_ref[0, 0] = focal + jnp.where(back_ref[0, 0] == 0, 0.0, memo + contra)


def kernel(inputs, another_inputs_full, indexes, back, features, labels):
    f32 = jnp.float32
    x = inputs.astype(f32)
    y = another_inputs_full.astype(f32)
    lab = labels.astype(jnp.int32)
    idx = indexes.astype(jnp.int32)
    feat = features.astype(f32)
    lab2d = jnp.pad(lab, (0, 128 * ((N_ROWS + 127) // 128) - N_ROWS)).reshape(-1, 128)

    mesh = plsc.VectorSubcoreMesh(core_axis_name="c", subcore_axis_name="s")
    sums, cnts, tgt = pl.kernel(
        _sc_body,
        out_type=[
            jax.ShapeDtypeStruct((NC * C_PAD, NUM_FEAT), f32),
            jax.ShapeDtypeStruct((NW, C_PAD), f32),
            jax.ShapeDtypeStruct((BATCH,), jnp.int32),
        ],
        mesh=mesh,
        compiler_params=pltpu.CompilerParams(needs_layout_passes=False),
        scratch_types=[
            pltpu.VMEM((CHUNK, NUM_FEAT), f32),
            pltpu.VMEM((CHUNK, NUM_FEAT), f32),
            pltpu.VMEM((CHUNK, NUM_FEAT), f32),
            pltpu.VMEM((CHUNK, NUM_FEAT), f32),
            pltpu.VMEM((1, CHUNK), jnp.int32),
            pltpu.VMEM((1, CHUNK), jnp.int32),
            pltpu.VMEM((1, CHUNK), jnp.int32),
            pltpu.VMEM((1, CHUNK), jnp.int32),
            pltpu.VMEM((1, N_TAIL), jnp.int32),
            pltpu.VMEM((16 * C_PAD,), f32),
            pltpu.VMEM((TGT_W,), jnp.int32),
            pltpu.VMEM((TGT_W,), jnp.int32),
            pltpu.VMEM((16, 128), jnp.int32),
            pltpu.VMEM((C_PAD // NS, NUM_FEAT), jnp.float32),
            pltpu.SemaphoreType.DMA,
            pltpu.SemaphoreType.DMA,
            pltpu.SemaphoreType.DMA,
            pltpu.SemaphoreType.DMA,
            pltpu.SemaphoreType.DMA,
            pltpu.SemaphoreType.DMA,
            pltpu.SemaphoreType.DMA,
            pltpu.SemaphoreType.DMA,
            pltpu.SemaphoreType.DMA,
            pltpu.SemaphoreType.DMA,
            pltpu.SemaphoreType.DMA,
            pltpu.SemaphoreType.DMA,
            pltpu.VMEM_SHARED((C_PAD, NUM_FEAT), f32),
        ],
    )(feat, lab, lab2d, idx)

    back_arr = jnp.asarray(back, jnp.int32).reshape(1, 1)
    out = pl.pallas_call(
        _tc_body,
        out_shape=jax.ShapeDtypeStruct((1, 1), f32),
        in_specs=[pl.BlockSpec(memory_space=pltpu.VMEM)] * 5
        + [pl.BlockSpec(memory_space=pltpu.SMEM)],
        out_specs=pl.BlockSpec(memory_space=pltpu.SMEM),
    )(sums, cnts, x, y, tgt.reshape(1, BATCH), back_arr)
    return out[0, 0]

# --- scband reference (transcript-rebuilt; emitter-appended) ---
"""Pipeline reference for scband-hybrid-memory-88321707475308 (READ-ONLY COPY).

The authoritative reference and input builder live on the scoring server;
editing this copy changes nothing except your own understanding.
"""

import jax, jax.numpy as jnp
import numpy as np

NUM_FEATURES = 128
NUM_SAMPLES = 100000
NUM_CLASSES = 1000
BATCH = 1024
TEMP = 0.05
MARGIN = 0.8


def setup_inputs(seed: int = 0) -> dict:
    key = jax.random.key(seed)
    k1, k2, k3, k4, k5 = jax.random.split(key, 5)
    inputs = jax.random.normal(k1, (BATCH, NUM_FEATURES), dtype=jnp.float32)
    another_inputs_full = jax.random.normal(k2, (BATCH, NUM_FEATURES), dtype=jnp.float32)
    indexes = jax.random.randint(k3, (BATCH,), 0, NUM_SAMPLES)
    features = jax.random.normal(k4, (NUM_SAMPLES, NUM_FEATURES), dtype=jnp.float32)
    features = features / (jnp.linalg.norm(features, axis=1, keepdims=True) + 1e-12)
    labels = jax.random.randint(k5, (NUM_SAMPLES,), 0, NUM_CLASSES)
    return {"inputs": inputs, "another_inputs_full": another_inputs_full, "indexes": indexes, "back": 1, "features": features, "labels": labels}


def _masked_softmax(vec, mask, eps=1e-06):
    exps = jnp.exp(vec)
    masked_exps = exps * mask
    masked_sums = jnp.sum(masked_exps, axis=1, keepdims=True) + eps
    return masked_exps / masked_sums


def _focal_loss(targets, sim, mask):
    masked_sim = _masked_softmax(sim.T, mask.T)
    C = masked_sim.shape[1]
    targets_onehot = jax.nn.one_hot(targets, C, dtype=jnp.float32)
    focal_p = targets_onehot * masked_sim
    focal_p_all = jnp.power(targets_onehot - focal_p, 4)
    outputs = jnp.log(masked_sim + 1e-06)
    loss = -(focal_p_all * outputs)
    loss = jnp.sum(loss, axis=1)
    return jnp.mean(loss, axis=0)


def _contrasloss(inputs, another_inputs):
    inputs = inputs / jnp.linalg.norm(inputs, axis=1, keepdims=True)
    another_inputs = another_inputs / jnp.linalg.norm(another_inputs, axis=1, keepdims=True)
    return -1.0 * jnp.mean(jnp.sum(inputs * another_inputs, axis=1))


def _contrasmemotyloss(targets, features, labels, num_classes, another_inputs):
    memory_dynamic = jax.ops.segment_sum(features, labels, num_segments=num_classes)
    nums = jax.ops.segment_sum(jnp.ones((features.shape[0], 1), jnp.float32), labels, num_segments=num_classes)
    mask = (nums > 0).astype(jnp.float32)
    memory_dynamic = memory_dynamic / (mask * nums + (1.0 - mask))
    picked = jax.lax.stop_gradient(memory_dynamic[targets])
    picked = picked / jnp.linalg.norm(picked, axis=1, keepdims=True)
    another_inputs = another_inputs / jnp.linalg.norm(another_inputs, axis=1, keepdims=True)
    return -1.0 * jnp.mean(jnp.sum(picked * another_inputs, axis=1))


def _forward(inputs, another_inputs_full, indexes, back, features, labels, num_classes):
    targets = labels[indexes]
    m = inputs.shape[0]
    x = inputs
    sq = jnp.sum(jnp.power(x, 2), axis=1, keepdims=True)
    dists = sq + sq.T - 2.0 * (x @ x.T)
    dists = dists - MARGIN
    masked = (dists > 0).astype(jnp.float32)
    dists = dists * masked
    _unused_outputs = jnp.sum(dists) / ((m - 1) * (m - 2))
    old_inputs = inputs
    h = inputs @ features.T
    h = h / TEMP
    sim = jax.ops.segment_sum(h.T, labels, num_segments=num_classes)
    nums = jax.ops.segment_sum(jnp.ones((features.shape[0], 1), jnp.float32), labels, num_segments=num_classes)
    mask = (nums > 0).astype(jnp.float32)
    sim = sim / (mask * nums + (1.0 - mask))
    mask = jnp.broadcast_to(mask, sim.shape)
    focal = _focal_loss(targets, sim, mask)
    memo = _contrasmemotyloss(targets, features, labels, num_classes, another_inputs_full)
    contra = _contrasloss(jax.lax.stop_gradient(old_inputs), another_inputs_full)
    return focal + jnp.where(back == 0, 0.0, memo + contra)


def reference(inputs, another_inputs_full, indexes, back, features, labels):
    num_classes = NUM_CLASSES
    return _forward(inputs, another_inputs_full, indexes, back, features, labels, num_classes)

if __name__ == "__main__":
    import jax
    _d = setup_inputs()
    print(jax.jit(kernel)(*tuple(_d.values())))

</pallas_src>

<mosaic_0001>
#map = affine_map<(d0, d1) -> (0, 0)>
#map1 = affine_map<(d0, d1) -> (0)>
module attributes {stable_mosaic.version = 14 : i64} {
  func.func @_sc_body(%arg0: i32, %arg1: i32, %arg2: memref<100000x128xf32, #tpu.memory_space<hbm>>, %arg3: memref<100000xi32, #tpu.memory_space<hbm>>, %arg4: memref<782x128xi32, #tpu.memory_space<hbm>>, %arg5: memref<1024xi32, #tpu.memory_space<hbm>>, %arg6: memref<2048x128xf32, #tpu.memory_space<hbm>>, %arg7: memref<32x1024xf32, #tpu.memory_space<hbm>>, %arg8: memref<1024xi32, #tpu.memory_space<hbm>>, %arg9: memref<128x128xf32, #tpu.memory_space<vmem>>, %arg10: memref<128x128xf32, #tpu.memory_space<vmem>>, %arg11: memref<128x128xf32, #tpu.memory_space<vmem>>, %arg12: memref<128x128xf32, #tpu.memory_space<vmem>>, %arg13: memref<1x128xi32, #tpu.memory_space<vmem>>, %arg14: memref<1x128xi32, #tpu.memory_space<vmem>>, %arg15: memref<1x128xi32, #tpu.memory_space<vmem>>, %arg16: memref<1x128xi32, #tpu.memory_space<vmem>>, %arg17: memref<1x32xi32, #tpu.memory_space<vmem>>, %arg18: memref<16384xf32, #tpu.memory_space<vmem>>, %arg19: memref<32xi32, #tpu.memory_space<vmem>>, %arg20: memref<32xi32, #tpu.memory_space<vmem>>, %arg21: memref<16x128xi32, #tpu.memory_space<vmem>>, %arg22: memref<64x128xf32, #tpu.memory_space<vmem>>, %arg23: memref<!tpu.dma_semaphore, #tpu.memory_space<semaphore_mem>>, %arg24: memref<!tpu.dma_semaphore, #tpu.memory_space<semaphore_mem>>, %arg25: memref<!tpu.dma_semaphore, #tpu.memory_space<semaphore_mem>>, %arg26: memref<!tpu.dma_semaphore, #tpu.memory_space<semaphore_mem>>, %arg27: memref<!tpu.dma_semaphore, #tpu.memory_space<semaphore_mem>>, %arg28: memref<!tpu.dma_semaphore, #tpu.memory_space<semaphore_mem>>, %arg29: memref<!tpu.dma_semaphore, #tpu.memory_space<semaphore_mem>>, %arg30: memref<!tpu.dma_semaphore, #tpu.memory_space<semaphore_mem>>, %arg31: memref<!tpu.dma_semaphore, #tpu.memory_space<semaphore_mem>>, %arg32: memref<!tpu.dma_semaphore, #tpu.memory_space<semaphore_mem>>, %arg33: memref<!tpu.dma_semaphore, #tpu.memory_space<semaphore_mem>>, %arg34: memref<!tpu.dma_semaphore, #tpu.memory_space<semaphore_mem>>, %arg35: memref<1024x128xf32, #tpu.memory_space<vmem_shared>>) attributes {dimension_semantics = [#tpu.dimension_semantics<core_parallel>, #tpu.dimension_semantics<subcore_parallel>], iteration_bounds = array<i64: 2, 16>, scalar_prefetch = 0 : i64, scratch_operands = 27 : i64, tpu.core_type = #tpu.core_type<sc_vector_subcore>, window_params = [{transform_indices = #map}, {transform_indices = #map1}, {transform_indices = #map}, {transform_indices = #map1}, {transform_indices = #map}, {transform_indices = #map}, {transform_indices = #map1}]} {
    %mul3A = arith.constant 2 : i32
    %mul3A_0 = arith.muli %arg1, %mul3A : i32
    %add3A = arith.addi %mul3A_0, %arg0 : i32
    %broadcast_in_dim3A = arith.constant 0.000000e+00 : f32
    %broadcast_in_dim3A_1 = vector.broadcast %broadcast_in_dim3A : f32 to vector<16xf32>
    %broadcast_in_dim3A_2 = arith.constant 1.000000e+00 : f32
    %broadcast_in_dim3A_3 = vector.broadcast %broadcast_in_dim3A_2 : f32 to vector<16xf32>
    %iota3A = tpu.iota {dimensions = array<i32: 0>} : vector<16xi32>
    %lt3A = arith.constant 13 : i32
    %lt3A_4 = arith.cmpi slt, %add3A, %lt3A : i32
    %jit3A = arith.constant 1 : i32
    %jit3A_5 = arith.constant 0 : i32
    %select_n3A = arith.select %lt3A_4, %jit3A, %jit3A_5 : i32
    %add3A_6 = arith.constant 24 : i32
    %add3A_7 = arith.addi %add3A_6, %select_n3A : i32
    %add3A_8 = arith.constant 0 : i32
    %add3A_9 = arith.addi %add3A, %add3A_8 : i32
    %mul3A_10 = arith.constant 128 : i32
    %mul3A_11 = arith.muli %add3A_9, %mul3A_10 : i32
    %dma_start3A = arith.constant 0 : i32
    %dma_start3A_12 = tpu.memref_slice %arg2[%mul3A_11, %dma_start3A] : memref<100000x128xf32, #tpu.memory_space<hbm>> -> memref<128x128xf32, #tpu.memory_space<hbm>>
    %dma_start3A_13 = arith.constant 0 : i32
    %dma_start3A_14 = tpu.memref_slice %arg2[%mul3A_11, %dma_start3A_13] : memref<100000x128xf32, #tpu.memory_space<hbm>> -> memref<128x128xf32, #tpu.memory_space<hbm>>
    tpu.enqueue_dma source(%dma_start3A_14 : memref<128x128xf32, #tpu.memory_space<hbm>>) target(%arg9 : memref<128x128xf32, #tpu.memory_space<vmem>>) target_semaphore(%arg23 : memref<!tpu.dma_semaphore, #tpu.memory_space<semaphore_mem>>)
    %dma_start3A_15 = arith.constant 0 : i32
    %dma_start3A_16 = arith.constant 0 : i32
    %dma_start3A_17 = tpu.memref_slice %arg13[%dma_start3A_15, %dma_start3A_16] : memref<1x128xi32, #tpu.memory_space<vmem>> -> memref<1x128xi32, #tpu.memory_space<vmem>>
    %dma_start3A_18 = tpu.memref_squeeze %dma_start3A_17 : memref<1x128xi32, #tpu.memory_space<vmem>> -> memref<128xi32, #tpu.memory_space<vmem>>
    %dma_start3A_19 = tpu.memref_slice %arg3[%mul3A_11] : memref<100000xi32, #tpu.memory_space<hbm>> -> memref<128xi32, #tpu.memory_space<hbm>>
    %dma_start3A_20 = arith.constant 0 : i32
    %dma_start3A_21 = tpu.memref_slice %arg13[%dma_start3A_15, %dma_start3A_20] : memref<1x128xi32, #tpu.memory_space<vmem>> -> memref<1x128xi32, #tpu.memory_space<vmem>>
    %dma_start3A_22 = tpu.memref_squeeze %dma_start3A_21 : memref<1x128xi32, #tpu.memory_space<vmem>> -> memref<128xi32, #tpu.memory_space<vmem>>
    %dma_start3A_23 = tpu.memref_slice %arg3[%mul3A_11] : memref<100000xi32, #tpu.memory_space<hbm>> -> memref<128xi32, #tpu.memory_space<hbm>>
    tpu.enqueue_dma source(%dma_start3A_23 : memref<128xi32, #tpu.memory_space<hbm>>) target(%dma_start3A_22 : memref<128xi32, #tpu.memory_space<vmem>>) target_semaphore(%arg27 : memref<!tpu.dma_semaphore, #tpu.memory_space<semaphore_mem>>)
    %add3A_24 = arith.constant 32 : i32
    %add3A_25 = arith.addi %add3A, %add3A_24 : i32
    %mul3A_26 = arith.constant 128 : i32
    %mul3A_27 = arith.muli %add3A_25, %mul3A_26 : i32
    %dma_start3A_28 = arith.constant 0 : i32
    %dma_start3A_29 = tpu.memref_slice %arg2[%mul3A_27, %dma_start3A_28] : memref<100000x128xf32, #tpu.memory_space<hbm>> -> memref<128x128xf32, #tpu.memory_space<hbm>>
    %dma_start3A_30 = arith.constant 0 : i32
    %dma_start3A_31 = tpu.memref_slice %arg2[%mul3A_27, %dma_start3A_30] : memref<100000x128xf32, #tpu.memory_space<hbm>> -> memref<128x128xf32, #tpu.memory_space<hbm>>
    tpu.enqueue_dma source(%dma_start3A_31 : memref<128x128xf32, #tpu.memory_space<hbm>>) target(%arg10 : memref<128x128xf32, #tpu.memory_space<vmem>>) target_semaphore(%arg24 : memref<!tpu.dma_semaphore, #tpu.memory_space<semaphore_mem>>)
    %dma_start3A_32 = arith.constant 0 : i32
    %dma_start3A_33 = arith.constant 0 : i32
    %dma_start3A_34 = tpu.memref_slice %arg14[%dma_start3A_32, %dma_start3A_33] : memref<1x128xi32, #tpu.memory_space<vmem>> -> memref<1x128xi32, #tpu.memory_space<vmem>>
    %dma_start3A_35 = tpu.memref_squeeze %dma_start3A_34 : memref<1x128xi32, #tpu.memory_space<vmem>> -> memref<128xi32, #tpu.memory_space<vmem>>
    %dma_start3A_36 = tpu.memref_slice %arg3[%mul3A_27] : memref<100000xi32, #tpu.memory_space<hbm>> -> memref<128xi32, #tpu.memory_space<hbm>>
    %dma_start3A_37 = arith.constant 0 : i32
    %dma_start3A_38 = tpu.memref_slice %arg14[%dma_start3A_32, %dma_start3A_37] : memref<1x128xi32, #tpu.memory_space<vmem>> -> memref<1x128xi32, #tpu.memory_space<vmem>>
    %dma_start3A_39 = tpu.memref_squeeze %dma_start3A_38 : memref<1x128xi32, #tpu.memory_space<vmem>> -> memref<128xi32, #tpu.memory_space<vmem>>
    %dma_start3A_40 = tpu.memref_slice %arg3[%mul3A_27] : memref<100000xi32, #tpu.memory_space<hbm>> -> memref<128xi32, #tpu.memory_space<hbm>>
    tpu.enqueue_dma source(%dma_start3A_40 : memref<128xi32, #tpu.memory_space<hbm>>) target(%dma_start3A_39 : memref<128xi32, #tpu.memory_space<vmem>>) target_semaphore(%arg28 : memref<!tpu.dma_semaphore, #tpu.memory_space<semaphore_mem>>)
    %scan3A = arith.constant 0 : i32
    %scan3A_41 = arith.constant 0 : i32
    %scan3A_42 = arith.constant 64 : i32
    %scan3A_43 = arith.addi %scan3A_41, %scan3A_42 : i32
    %scan3A_44 = arith.constant 1 : i32
    scf.for %scan3A_112 = %scan3A_41 to %scan3A_43 step %scan3A_44  : i32 {
      %swap3A_113 = arith.index_cast %scan3A_112 : i32 to index
      %swap3A_114 = arith.constant 0 : index
      %swap3A_115 = tpu.vector_load %arg22[%swap3A_113, %swap3A_114] {strides = array<i32>} : memref<64x128xf32, #tpu.memory_space<vmem>>, vector<16xf32>,
      tpu.vector_store %arg22[%swap3A_113, %swap3A_114], %broadcast_in_dim3A_1 {strides = array<i32>} : memref<64x128xf32, #tpu.memory_space<vmem>>, vector<16xf32>,
      %swap3A_116 = arith.index_cast %scan3A_112 : i32 to index
      %swap3A_117 = arith.constant 16 : index
      %swap3A_118 = tpu.vector_load %arg22[%swap3A_116, %swap3A_117] {strides = array<i32>} : memref<64x128xf32, #tpu.memory_space<vmem>>, vector<16xf32>,
      tpu.vector_store %arg22[%swap3A_116, %swap3A_117], %broadcast_in_dim3A_1 {strides = array<i32>} : memref<64x128xf32, #tpu.memory_space<vmem>>, vector<16xf32>,
      %swap3A_119 = arith.index_cast %scan3A_112 : i32 to index
      %swap3A_120 = arith.constant 32 : index
      %swap3A_121 = tpu.vector_load %arg22[%swap3A_119, %swap3A_120] {strides = array<i32>} : memref<64x128xf32, #tpu.memory_space<vmem>>, vector<16xf32>,
      tpu.vector_store %arg22[%swap3A_119, %swap3A_120], %broadcast_in_dim3A_1 {strides = array<i32>} : memref<64x128xf32, #tpu.memory_space<vmem>>, vector<16xf32>,
      %swap3A_122 = arith.index_cast %scan3A_112 : i32 to index
      %swap3A_123 = arith.constant 48 : index
      %swap3A_124 = tpu.vector_load %arg22[%swap3A_122, %swap3A_123] {strides = array<i32>} : memref<64x128xf32, #tpu.memory_space<vmem>>, vector<16xf32>,
      tpu.vector_store %arg22[%swap3A_122, %swap3A_123], %broadcast_in_dim3A_1 {strides = array<i32>} : memref<64x128xf32, #tpu.memory_space<vmem>>, vector<16xf32>,
      %swap3A_125 = arith.index_cast %scan3A_112 : i32 to index
      %swap3A_126 = arith.constant 64 : index
      %swap3A_127 = tpu.vector_load %arg22[%swap3A_125, %swap3A_126] {strides = array<i32>} : memref<64x128xf32, #tpu.memory_space<vmem>>, vector<16xf32>,
      tpu.vector_store %arg22[%swap3A_125, %swap3A_126], %broadcast_in_dim3A_1 {strides = array<i32>} : memref<64x128xf32, #tpu.memory_space<vmem>>, vector<16xf32>,
      %swap3A_128 = arith.index_cast %scan3A_112 : i32 to index
      %swap3A_129 = arith.constant 80 : index
      %swap3A_130 = tpu.vector_load %arg22[%swap3A_128, %swap3A_129] {strides = array<i32>} : memref<64x128xf32, #tpu.memory_space<vmem>>, vector<16xf32>,
      tpu.vector_store %arg22[%swap3A_128, %swap3A_129], %broadcast_in_dim3A_1 {strides = array<i32>} : memref<64x128xf32, #tpu.memory_space<vmem>>, vector<16xf32>,
      %swap3A_131 = arith.index_cast %scan3A_112 : i32 to index
      %swap3A_132 = arith.constant 96 : index
      %swap3A_133 = tpu.vector_load %arg22[%swap3A_131, %swap3A_132] {strides = array<i32>} : memref<64x128xf32, #tpu.memory_space<vmem>>, vector<16xf32>,
      tpu.vector_store %arg22[%swap3A_131, %swap3A_132], %broadcast_in_dim3A_1 {strides = array<i32>} : memref<64x128xf32, #tpu.memory_space<vmem>>, vector<16xf32>,
      %swap3A_134 = arith.index_cast %scan3A_112 : i32 to index
      %swap3A_135 = arith.constant 112 : index
      %swap3A_136 = tpu.vector_load %arg22[%swap3A_134, %swap3A_135] {strides = array<i32>} : memref<64x128xf32, #tpu.memory_space<vmem>>, vector<16xf32>,
      tpu.vector_store %arg22[%swap3A_134, %swap3A_135], %broadcast_in_dim3A_1 {strides = array<i32>} : memref<64x128xf32, #tpu.memory_space<vmem>>, vector<16xf32>,
      %mul3A_137 = arith.constant 256 : i32
      %mul3A_138 = arith.muli %scan3A_112, %mul3A_137 : i32
      %add3A_139 = arith.constant 0 : i32
      %add3A_140 = arith.addi %mul3A_138, %add3A_139 : i32
      %swap3A_141 = arith.index_cast %add3A_140 : i32 to index
      %swap3A_142 = tpu.vector_load %arg18[%swap3A_141] {strides = array<i32>} : memref<16384xf32, #tpu.memory_space<vmem>>, vector<16xf32>,
      tpu.vector_store %arg18[%swap3A_141], %broadcast_in_dim3A_1 {strides = array<i32>} : memref<16384xf32, #tpu.memory_space<vmem>>, vector<16xf32>,
      %mul3A_143 = arith.constant 256 : i32
      %mul3A_144 = arith.muli %scan3A_112, %mul3A_143 : i32
      %add3A_145 = arith.constant 16 : i32
      %add3A_146 = arith.addi %mul3A_144, %add3A_145 : i32
      %swap3A_147 = arith.index_cast %add3A_146 : i32 to index
      %swap3A_148 = tpu.vector_load %arg18[%swap3A_147] {strides = array<i32>} : memref<16384xf32, #tpu.memory_space<vmem>>, vector<16xf32>,
      tpu.vector_store %arg18[%swap3A_147], %broadcast_in_dim3A_1 {strides = array<i32>} : memref<16384xf32, #tpu.memory_space<vmem>>, vector<16xf32>,
      %mul3A_149 = arith.constant 256 : i32
      %mul3A_150 = arith.muli %scan3A_112, %mul3A_149 : i32
      %add3A_151 = arith.constant 32 : i32
      %add3A_152 = arith.addi %mul3A_150, %add3A_151 : i32
      %swap3A_153 = arith.index_cast %add3A_152 : i32 to index
      %swap3A_154 = tpu.vector_load %arg18[%swap3A_153] {strides = array<i32>} : memref<16384xf32, #tpu.memory_space<vmem>>, vector<16xf32>,
      tpu.vector_store %arg18[%swap3A_153], %broadcast_in_dim3A_1 {strides = array<i32>} : memref<16384xf32, #tpu.memory_space<vmem>>, vector<16xf32>,
      %mul3A_155 = arith.constant 256 : i32
      %mul3A_156 = arith.muli %scan3A_112, %mul3A_155 : i32
      %add3A_157 = arith.constant 48 : i32
      %add3A_158 = arith.addi %mul3A_156, %add3A_157 : i32
      %swap3A_159 = arith.index_cast %add3A_158 : i32 to index
      %swap3A_160 = tpu.vector_load %arg18[%swap3A_159] {strides = array<i32>} : memref<16384xf32, #tpu.memory_space<vmem>>, vector<16xf32>,
      tpu.vector_store %arg18[%swap3A_159], %broadcast_in_dim3A_1 {strides = array<i32>} : memref<16384xf32, #tpu.memory_space<vmem>>, vector<16xf32>,
      %mul3A_161 = arith.constant 256 : i32
      %mul3A_162 = arith.muli %scan3A_112, %mul3A_161 : i32
      %add3A_163 = arith.constant 64 : i32
      %add3A_164 = arith.addi %mul3A_162, %add3A_163 : i32
      %swap3A_165 = arith.index_cast %add3A_164 : i32 to index
      %swap3A_166 = tpu.vector_load %arg18[%swap3A_165] {strides = array<i32>} : memref<16384xf32, #tpu.memory_space<vmem>>, vector<16xf32>,
      tpu.vector_store %arg18[%swap3A_165], %broadcast_in_dim3A_1 {strides = array<i32>} : memref<16384xf32, #tpu.memory_space<vmem>>, vector<16xf32>,
      %mul3A_167 = arith.constant 256 : i32
      %mul3A_168 = arith.muli %scan3A_112, %mul3A_167 : i32
      %add3A_169 = arith.constant 80 : i32
      %add3A_170 = arith.addi %mul3A_168, %add3A_169 : i32
      %swap3A_171 = arith.index_cast %add3A_170 : i32 to index
      %swap3A_172 = tpu.vector_load %arg18[%swap3A_171] {strides = array<i32>} : memref<16384xf32, #tpu.memory_space<vmem>>, vector<16xf32>,
      tpu.vector_store %arg18[%swap3A_171], %broadcast_in_dim3A_1 {strides = array<i32>} : memref<16384xf32, #tpu.memory_space<vmem>>, vector<16xf32>,
      %mul3A_173 = arith.constant 256 : i32
      %mul3A_174 = arith.muli %scan3A_112, %mul3A_173 : i32
      %add3A_175 = arith.constant 96 : i32
      %add3A_176 = arith.addi %mul3A_174, %add3A_175 : i32
      %swap3A_177 = arith.index_cast %add3A_176 : i32 to index
      %swap3A_178 = tpu.vector_load %arg18[%swap3A_177] {strides = array<i32>} : memref<16384xf32, #tpu.memory_space<vmem>>, vector<16xf32>,
      tpu.vector_store %arg18[%swap3A_177], %broadcast_in_dim3A_1 {strides = array<i32>} : memref<16384xf32, #tpu.memory_space<vmem>>, vector<16xf32>,
      %mul3A_179 = arith.constant 256 : i32
      %mul3A_180 = arith.muli %scan3A_112, %mul3A_179 : i32
      %add3A_181 = arith.constant 112 : i32
      %add3A_182 = arith.addi %mul3A_180, %add3A_181 : i32
      %swap3A_183 = arith.index_cast %add3A_182 : i32 to index
      %swap3A_184 = tpu.vector_load %arg18[%swap3A_183] {strides = array<i32>} : memref<16384xf32, #tpu.memory_space<vmem>>, vector<16xf32>,
      tpu.vector_store %arg18[%swap3A_183], %broadcast_in_dim3A_1 {strides = array<i32>} : memref<16384xf32, #tpu.memory_space<vmem>>, vector<16xf32>,
      %mul3A_185 = arith.constant 256 : i32
      %mul3A_186 = arith.muli %scan3A_112, %mul3A_185 : i32
      %add3A_187 = arith.constant 128 : i32
      %add3A_188 = arith.addi %mul3A_186, %add3A_187 : i32
      %swap3A_189 = arith.index_cast %add3A_188 : i32 to index
      %swap3A_190 = tpu.vector_load %arg18[%swap3A_189] {strides = array<i32>} : memref<16384xf32, #tpu.memory_space<vmem>>, vector<16xf32>,
      tpu.vector_store %arg18[%swap3A_189], %broadcast_in_dim3A_1 {strides = array<i32>} : memref<16384xf32, #tpu.memory_space<vmem>>, vector<16xf32>,
      %mul3A_191 = arith.constant 256 : i32
      %mul3A_192 = arith.muli %scan3A_112, %mul3A_191 : i32
      %add3A_193 = arith.constant 144 : i32
      %add3A_194 = arith.addi %mul3A_192, %add3A_193 : i32
      %swap3A_195 = arith.index_cast %add3A_194 : i32 to index
      %swap3A_196 = tpu.vector_load %arg18[%swap3A_195] {strides = array<i32>} : memref<16384xf32, #tpu.memory_space<vmem>>, vector<16xf32>,
      tpu.vector_store %arg18[%swap3A_195], %broadcast_in_dim3A_1 {strides = array<i32>} : memref<16384xf32, #tpu.memory_space<vmem>>, vector<16xf32>,
      %mul3A_197 = arith.constant 256 : i32
      %mul3A_198 = arith.muli %scan3A_112, %mul3A_197 : i32
      %add3A_199 = arith.constant 160 : i32
      %add3A_200 = arith.addi %mul3A_198, %add3A_199 : i32
      %swap3A_201 = arith.index_cast %add3A_200 : i32 to index
      %swap3A_202 = tpu.vector_load %arg18[%swap3A_201] {strides = array<i32>} : memref<16384xf32, #tpu.memory_space<vmem>>, vector<16xf32>,
      tpu.vector_store %arg18[%swap3A_201], %broadcast_in_dim3A_1 {strides = array<i32>} : memref<16384xf32, #tpu.memory_space<vmem>>, vector<16xf32>,
      %mul3A_203 = arith.constant 256 : i32
      %mul3A_204 = arith.muli %scan3A_112, %mul3A_203 : i32
      %add3A_205 = arith.constant 176 : i32
      %add3A_206 = arith.addi %mul3A_204, %add3A_205 : i32
      %swap3A_207 = arith.index_cast %add3A_206 : i32 to index
      %swap3A_208 = tpu.vector_load %arg18[%swap3A_207] {strides = array<i32>} : memref<16384xf32, #tpu.memory_space<vmem>>, vector<16xf32>,
      tpu.vector_store %arg18[%swap3A_207], %broadcast_in_dim3A_1 {strides = array<i32>} : memref<16384xf32, #tpu.memory_space<vmem>>, vector<16xf32>,
      %mul3A_209 = arith.constant 256 : i32
      %mul3A_210 = arith.muli %scan3A_112, %mul3A_209 : i32
      %add3A_211 = arith.constant 192 : i32
      %add3A_212 = arith.addi %mul3A_210, %add3A_211 : i32
      %swap3A_213 = arith.index_cast %add3A_212 : i32 to index
      %swap3A_214 = tpu.vector_load %arg18[%swap3A_213] {strides = array<i32>} : memref<16384xf32, #tpu.memory_space<vmem>>, vector<16xf32>,
      tpu.vector_store %arg18[%swap3A_213], %broadcast_in_dim3A_1 {strides = array<i32>} : memref<16384xf32, #tpu.memory_space<vmem>>, vector<16xf32>,
      %mul3A_215 = arith.constant 256 : i32
      %mul3A_216 = arith.muli %scan3A_112, %mul3A_215 : i32
      %add3A_217 = arith.constant 208 : i32
      %add3A_218 = arith.addi %mul3A_216, %add3A_217 : i32
      %swap3A_219 = arith.index_cast %add3A_218 : i32 to index
      %swap3A_220 = tpu.vector_load %arg18[%swap3A_219] {strides = array<i32>} : memref<16384xf32, #tpu.memory_space<vmem>>, vector<16xf32>,
      tpu.vector_store %arg18[%swap3A_219], %broadcast_in_dim3A_1 {strides = array<i32>} : memref<16384xf32, #tpu.memory_space<vmem>>, vector<16xf32>,
      %mul3A_221 = arith.constant 256 : i32
      %mul3A_222 = arith.muli %scan3A_112, %mul3A_221 : i32
      %add3A_223 = arith.constant 224 : i32
      %add3A_224 = arith.addi %mul3A_222, %add3A_223 : i32
      %swap3A_225 = arith.index_cast %add3A_224 : i32 to index
      %swap3A_226 = tpu.vector_load %arg18[%swap3A_225] {strides = array<i32>} : memref<16384xf32, #tpu.memory_space<vmem>>, vector<16xf32>,
      tpu.vector_store %arg18[%swap3A_225], %broadcast_in_dim3A_1 {strides = array<i32>} : memref<16384xf32, #tpu.memory_space<vmem>>, vector<16xf32>,
      %mul3A_227 = arith.constant 256 : i32
      %mul3A_228 = arith.muli %scan3A_112, %mul3A_227 : i32
      %add3A_229 = arith.constant 240 : i32
      %add3A_230 = arith.addi %mul3A_228, %add3A_229 : i32
      %swap3A_231 = arith.index_cast %add3A_230 : i32 to index
      %swap3A_232 = tpu.vector_load %arg18[%swap3A_231] {strides = array<i32>} : memref<16384xf32, #tpu.memory_space<vmem>>, vector<16xf32>,
      tpu.vector_store %arg18[%swap3A_231], %broadcast_in_dim3A_1 {strides = array<i32>} : memref<16384xf32, #tpu.memory_space<vmem>>, vector<16xf32>,
    }
    %scan3A_45 = arith.constant 64 : i32
    %mul3A_46 = arith.constant 64 : i32
    %mul3A_47 = arith.muli %arg1, %mul3A_46 : i32
    "tpu.region"() ({
      %run_scoped3A = tpu.sem_alloc : memref<!tpu.dma_semaphore, #tpu.memory_space<semaphore_mem>>
      %dma_start3A_112 = arith.constant 0 : i32
      %dma_start3A_113 = tpu.memref_slice %arg35[%mul3A_47, %dma_start3A_112] : memref<1024x128xf32, #tpu.memory_space<vmem_shared>> -> memref<64x128xf32, #tpu.memory_space<vmem_shared>>
      %dma_start3A_114 = arith.constant 0 : i32
      %dma_start3A_115 = tpu.memref_slice %arg35[%mul3A_47, %dma_start3A_114] : memref<1024x128xf32, #tpu.memory_space<vmem_shared>> -> memref<64x128xf32, #tpu.memory_space<vmem_shared>>
      tpu.enqueue_dma source(%arg22 : memref<64x128xf32, #tpu.memory_space<vmem>>) target(%dma_start3A_115 : memref<64x128xf32, #tpu.memory_space<vmem_shared>>) target_semaphore(%run_scoped3A : memref<!tpu.dma_semaphore, #tpu.memory_space<semaphore_mem>>)
      %dma_wait3A_116 = arith.constant 0 : i32
      %dma_wait3A_117 = tpu.memref_slice %arg35[%mul3A_47, %dma_wait3A_116] : memref<1024x128xf32, #tpu.memory_space<vmem_shared>> -> memref<64x128xf32, #tpu.memory_space<vmem_shared>>
      %dma_wait3A_118 = arith.constant 0 : i32
      %dma_wait3A_119 = tpu.memref_slice %arg35[%mul3A_47, %dma_wait3A_118] : memref<1024x128xf32, #tpu.memory_space<vmem_shared>> -> memref<64x128xf32, #tpu.memory_space<vmem_shared>>
      tpu.wait_dma2 semaphore(%run_scoped3A : memref<!tpu.dma_semaphore, #tpu.memory_space<semaphore_mem>>) src(%arg22 : memref<64x128xf32, #tpu.memory_space<vmem>>) dst(%dma_wait3A_119 : memref<64x128xf32, #tpu.memory_space<vmem_shared>>)
      tpu.yield
    }) : () -> ()
    %barrier3A = arith.constant 0 : index
    tpu.barrier barrier_id(%barrier3A)
    %mul3A_48 = arith.constant 32 : i32
    %mul3A_49 = arith.muli %add3A, %mul3A_48 : i32
    "tpu.region"() ({
      %run_scoped3A = tpu.sem_alloc : memref<!tpu.dma_semaphore, #tpu.memory_space<semaphore_mem>>
      %dma_start3A_112 = tpu.memref_slice %arg5[%mul3A_49] : memref<1024xi32, #tpu.memory_space<hbm>> -> memref<32xi32, #tpu.memory_space<hbm>>
      %dma_start3A_113 = tpu.memref_slice %arg5[%mul3A_49] : memref<1024xi32, #tpu.memory_space<hbm>> -> memref<32xi32, #tpu.memory_space<hbm>>
      tpu.enqueue_dma source(%dma_start3A_113 : memref<32xi32, #tpu.memory_space<hbm>>) target(%arg19 : memref<32xi32, #tpu.memory_space<vmem>>) target_semaphore(%run_scoped3A : memref<!tpu.dma_semaphore, #tpu.memory_space<semaphore_mem>>)
      %dma_wait3A_114 = tpu.memref_slice %arg5[%mul3A_49] : memref<1024xi32, #tpu.memory_space<hbm>> -> memref<32xi32, #tpu.memory_space<hbm>>
      %dma_wait3A_115 = tpu.memref_slice %arg5[%mul3A_49] : memref<1024xi32, #tpu.memory_space<hbm>> -> memref<32xi32, #tpu.memory_space<hbm>>
      tpu.wait_dma2 semaphore(%run_scoped3A : memref<!tpu.dma_semaphore, #tpu.memory_space<semaphore_mem>>) src(%dma_wait3A_115 : memref<32xi32, #tpu.memory_space<hbm>>) dst(%arg19 : memref<32xi32, #tpu.memory_space<vmem>>)
      tpu.yield
    }) : () -> ()
    %get3A = arith.constant 0 : index
    %get3A_50 = tpu.vector_load %arg19[%get3A] {strides = array<i32>} : memref<32xi32, #tpu.memory_space<vmem>>, vector<16xi32>,
    %shift_right_logical3A = arith.constant 7 : i32
    %shift_right_logical3A_51 = vector.broadcast %shift_right_logical3A : i32 to vector<16xi32>
    %shift_right_logical3A_52 = arith.shrui %get3A_50, %shift_right_logical3A_51 : vector<16xi32>
    %and3A = arith.constant 127 : i32
    %and3A_53 = vector.broadcast %and3A : i32 to vector<16xi32>
    %and3A_54 = arith.andi %get3A_50, %and3A_53 : vector<16xi32>
    "tpu.region"() ({
      %run_scoped3A = tpu.sem_alloc : memref<!tpu.dma_semaphore, #tpu.memory_space<semaphore_mem>>
      %dma_start3A_112 = arith.constant 0 : i32
      %dma_start3A_113 = arith.constant 0 : i32
      %dma_start3A_114 = tpu.memref_slice %arg4[%dma_start3A_112, %dma_start3A_113] : memref<782x128xi32, #tpu.memory_space<hbm>> -> memref<782x128xi32, #tpu.memory_space<hbm>>
      tpu.enqueue_indirect_dma source(%dma_start3A_114 : memref<782x128xi32, #tpu.memory_space<hbm>>) target(%arg21 : memref<16x128xi32, #tpu.memory_space<vmem>>) offsets(%shift_right_logical3A_52 : vector<16xi32>) semaphore(%run_scoped3A : memref<!tpu.dma_semaphore, #tpu.memory_space<semaphore_mem>>)
      %dma_wait3A_115 = arith.constant 0 : i32
      %dma_wait3A_116 = arith.constant 0 : i32
      %dma_wait3A_117 = tpu.memref_slice %arg4[%dma_wait3A_115, %dma_wait3A_116] : memref<782x128xi32, #tpu.memory_space<hbm>> -> memref<782x128xi32, #tpu.memory_space<hbm>>
      tpu.wait_indirect_dma semaphore(%run_scoped3A : memref<!tpu.dma_semaphore, #tpu.memory_space<semaphore_mem>>) src(%dma_wait3A_117 : memref<782x128xi32, #tpu.memory_space<hbm>>) dst(%arg21 : memref<16x128xi32, #tpu.memory_space<vmem>>)
      tpu.yield
    }) : () -> ()
    %gather3A = tpu.vector_load_idx %arg21[%iota3A, %and3A_54] : memref<16x128xi32, #tpu.memory_space<vmem>>[vector<16xi32>, vector<16xi32>], vector<16xi32>,
    %swap3A = arith.constant 0 : index
    %swap3A_55 = tpu.vector_load %arg20[%swap3A] {strides = array<i32>} : memref<32xi32, #tpu.memory_space<vmem>>, vector<16xi32>,
    tpu.vector_store %arg20[%swap3A], %gather3A {strides = array<i32>} : memref<32xi32, #tpu.memory_space<vmem>>, vector<16xi32>,
    %get3A_56 = arith.constant 16 : index
    %get3A_57 = tpu.vector_load %arg19[%get3A_56] {strides = array<i32>} : memref<32xi32, #tpu.memory_space<vmem>>, vector<16xi32>,
    %shift_right_logical3A_58 = arith.constant 7 : i32
    %shift_right_logical3A_59 = vector.broadcast %shift_right_logical3A_58 : i32 to vector<16xi32>
    %shift_right_logical3A_60 = arith.shrui %get3A_57, %shift_right_logical3A_59 : vector<16xi32>
    %and3A_61 = arith.constant 127 : i32
    %and3A_62 = vector.broadcast %and3A_61 : i32 to vector<16xi32>
    %and3A_63 = arith.andi %get3A_57, %and3A_62 : vector<16xi32>
    "tpu.region"() ({
      %run_scoped3A = tpu.sem_alloc : memref<!tpu.dma_semaphore, #tpu.memory_space<semaphore_mem>>
      %dma_start3A_112 = arith.constant 0 : i32
      %dma_start3A_113 = arith.constant 0 : i32
      %dma_start3A_114 = tpu.memref_slice %arg4[%dma_start3A_112, %dma_start3A_113] : memref<782x128xi32, #tpu.memory_space<hbm>> -> memref<782x128xi32, #tpu.memory_space<hbm>>
      tpu.enqueue_indirect_dma source(%dma_start3A_114 : memref<782x128xi32, #tpu.memory_space<hbm>>) target(%arg21 : memref<16x128xi32, #tpu.memory_space<vmem>>) offsets(%shift_right_logical3A_60 : vector<16xi32>) semaphore(%run_scoped3A : memref<!tpu.dma_semaphore, #tpu.memory_space<semaphore_mem>>)
      %dma_wait3A_115 = arith.constant 0 : i32
      %dma_wait3A_116 = arith.constant 0 : i32
      %dma_wait3A_117 = tpu.memref_slice %arg4[%dma_wait3A_115, %dma_wait3A_116] : memref<782x128xi32, #tpu.memory_space<hbm>> -> memref<782x128xi32, #tpu.memory_space<hbm>>
      tpu.wait_indirect_dma semaphore(%run_scoped3A : memref<!tpu.dma_semaphore, #tpu.memory_space<semaphore_mem>>) src(%dma_wait3A_117 : memref<782x128xi32, #tpu.memory_space<hbm>>) dst(%arg21 : memref<16x128xi32, #tpu.memory_space<vmem>>)
      tpu.yield
    }) : () -> ()
    %gather3A_64 = tpu.vector_load_idx %arg21[%iota3A, %and3A_63] : memref<16x128xi32, #tpu.memory_space<vmem>>[vector<16xi32>, vector<16xi32>], vector<16xi32>,
    %swap3A_65 = arith.constant 16 : index
    %swap3A_66 = tpu.vector_load %arg20[%swap3A_65] {strides = array<i32>} : memref<32xi32, #tpu.memory_space<vmem>>, vector<16xi32>,
    tpu.vector_store %arg20[%swap3A_65], %gather3A_64 {strides = array<i32>} : memref<32xi32, #tpu.memory_space<vmem>>, vector<16xi32>,
    "tpu.region"() ({
      %run_scoped3A = tpu.sem_alloc : memref<!tpu.dma_semaphore, #tpu.memory_space<semaphore_mem>>
      %dma_start3A_112 = tpu.memref_slice %arg8[%mul3A_49] : memref<1024xi32, #tpu.memory_space<hbm>> -> memref<32xi32, #tpu.memory_space<hbm>>
      %dma_start3A_113 = tpu.memref_slice %arg8[%mul3A_49] : memref<1024xi32, #tpu.memory_space<hbm>> -> memref<32xi32, #tpu.memory_space<hbm>>
      tpu.enqueue_dma source(%arg20 : memref<32xi32, #tpu.memory_space<vmem>>) target(%dma_start3A_113 : memref<32xi32, #tpu.memory_space<hbm>>) target_semaphore(%run_scoped3A : memref<!tpu.dma_semaphore, #tpu.memory_space<semaphore_mem>>)
      %dma_wait3A_114 = tpu.memref_slice %arg8[%mul3A_49] : memref<1024xi32, #tpu.memory_space<hbm>> -> memref<32xi32, #tpu.memory_space<hbm>>
      %dma_wait3A_115 = tpu.memref_slice %arg8[%mul3A_49] : memref<1024xi32, #tpu.memory_space<hbm>> -> memref<32xi32, #tpu.memory_space<hbm>>
      tpu.wait_dma2 semaphore(%run_scoped3A : memref<!tpu.dma_semaphore, #tpu.memory_space<semaphore_mem>>) src(%arg20 : memref<32xi32, #tpu.memory_space<vmem>>) dst(%dma_wait3A_115 : memref<32xi32, #tpu.memory_space<hbm>>)
      tpu.yield
    }) : () -> ()
    %scan3A_67 = arith.constant 0 : i32
    %scan3A_68 = arith.constant 0 : i32
    %scan3A_69 = arith.constant 6 : i32
    %scan3A_70 = arith.addi %scan3A_68, %scan3A_69 : i32
    %scan3A_71 = arith.constant 1 : i32
    scf.for %scan3A_112 = %scan3A_68 to %scan3A_70 step %scan3A_71  : i32 {
      %mul3A_113 = arith.constant 4 : i32
      %mul3A_114 = arith.muli %mul3A_113, %scan3A_112 : i32
      %add3A_115 = arith.constant 0 : i32
      %add3A_116 = arith.addi %mul3A_114, %add3A_115 : i32
      %dma_wait3A_117 = arith.constant 0 : i32
      %dma_wait3A_118 = arith.constant 0 : i32
      %dma_wait3A_119 = tpu.memref_slice %arg2[%dma_wait3A_117, %dma_wait3A_118] : memref<100000x128xf32, #tpu.memory_space<hbm>> -> memref<128x128xf32, #tpu.memory_space<hbm>>
      %dma_wait3A_120 = arith.constant 0 : i32
      %dma_wait3A_121 = arith.constant 0 : i32
      %dma_wait3A_122 = tpu.memref_slice %arg2[%dma_wait3A_120, %dma_wait3A_121] : memref<100000x128xf32, #tpu.memory_space<hbm>> -> memref<128x128xf32, #tpu.memory_space<hbm>>
      tpu.wait_dma2 semaphore(%arg23 : memref<!tpu.dma_semaphore, #tpu.memory_space<semaphore_mem>>) src(%dma_wait3A_122 : memref<128x128xf32, #tpu.memory_space<hbm>>) dst(%arg9 : memref<128x128xf32, #tpu.memory_space<vmem>>)
      %dma_wait3A_123 = arith.constant 0 : i32
      %dma_wait3A_124 = arith.constant 0 : i32
      %dma_wait3A_125 = tpu.memref_slice %arg13[%dma_wait3A_123, %dma_wait3A_124] : memref<1x128xi32, #tpu.memory_space<vmem>> -> memref<1x128xi32, #tpu.memory_space<vmem>>
      %dma_wait3A_126 = tpu.memref_squeeze %dma_wait3A_125 : memref<1x128xi32, #tpu.memory_space<vmem>> -> memref<128xi32, #tpu.memory_space<vmem>>
      %dma_wait3A_127 = arith.constant 0 : i32
      %dma_wait3A_128 = tpu.memref_slice %arg3[%dma_wait3A_127] : memref<100000xi32, #tpu.memory_space<hbm>> -> memref<128xi32, #tpu.memory_space<hbm>>
      %dma_wait3A_129 = arith.constant 0 : i32
      %dma_wait3A_130 = tpu.memref_slice %arg13[%dma_wait3A_123, %dma_wait3A_129] : memref<1x128xi32, #tpu.memory_space<vmem>> -> memref<1x128xi32, #tpu.memory_space<vmem>>
      %dma_wait3A_131 = tpu.memref_squeeze %dma_wait3A_130 : memref<1x128xi32, #tpu.memory_space<vmem>> -> memref<128xi32, #tpu.memory_space<vmem>>
      %dma_wait3A_132 = arith.constant 0 : i32
      %dma_wait3A_133 = tpu.memref_slice %arg3[%dma_wait3A_132] : memref<100000xi32, #tpu.memory_space<hbm>> -> memref<128xi32, #tpu.memory_space<hbm>>
      tpu.wait_dma2 semaphore(%arg27 : memref<!tpu.dma_semaphore, #tpu.memory_space<semaphore_mem>>) src(%dma_wait3A_133 : memref<128xi32, #tpu.memory_space<hbm>>) dst(%dma_wait3A_131 : memref<128xi32, #tpu.memory_space<vmem>>)
      %dma_start3A_134 = arith.constant 0 : i32
      %dma_start3A_135 = arith.constant 0 : i32
      %dma_start3A_136 = tpu.memref_slice %arg13[%dma_start3A_134, %dma_start3A_135] : memref<1x128xi32, #tpu.memory_space<vmem>> -> memref<1x128xi32, #tpu.memory_space<vmem>>
      %dma_start3A_137 = tpu.memref_squeeze %dma_start3A_136 : memref<1x128xi32, #tpu.memory_space<vmem>> -> memref<128xi32, #tpu.memory_space<vmem>>
      %dma_start3A_138 = arith.constant 0 : i32
      %dma_start3A_139 = arith.constant 0 : i32
      %dma_start3A_140 = tpu.memref_slice %arg35[%dma_start3A_138, %dma_start3A_139] : memref<1024x128xf32, #tpu.memory_space<vmem_shared>> -> memref<1024x128xf32, #tpu.memory_space<vmem_shared>>
      tpu.enqueue_indirect_dma source(%arg9 : memref<128x128xf32, #tpu.memory_space<vmem>>) target(%dma_start3A_140 : memref<1024x128xf32, #tpu.memory_space<vmem_shared>>) offsets(%dma_start3A_137 : memref<128xi32, #tpu.memory_space<vmem>>) semaphore(%arg31 : memref<!tpu.dma_semaphore, #tpu.memory_space<semaphore_mem>>) {add = true}
      %get3A_141 = arith.constant 0 : i32
      %get3A_142 = arith.index_cast %get3A_141 : i32 to index
      %get3A_143 = arith.constant 0 : index
      %get3A_144 = tpu.vector_load %arg13[%get3A_142, %get3A_143] {strides = array<i32>} : memref<1x128xi32, #tpu.memory_space<vmem>>, vector<16xi32>,
      %mul3A_145 = arith.constant 1024 : i32
      %mul3A_146 = vector.broadcast %mul3A_145 : i32 to vector<16xi32>
      %mul3A_147 = arith.muli %iota3A, %mul3A_146 : vector<16xi32>
      %add3A_148 = arith.addi %mul3A_147, %get3A_144 : vector<16xi32>
      tpu.vector_store_idx %arg18[%add3A_148], %broadcast_in_dim3A_3 {add = true} : memref<16384xf32, #tpu.memory_space<vmem>>[vector<16xi32>], vector<16xf32>,
      %get3A_149 = arith.constant 0 : i32
      %get3A_150 = arith.index_cast %get3A_149 : i32 to index
      %get3A_151 = arith.constant 16 : index
      %get3A_152 = tpu.vector_load %arg13[%get3A_150, %get3A_151] {strides = array<i32>} : memref<1x128xi32, #tpu.memory_space<vmem>>, vector<16xi32>,
      %mul3A_153 = arith.constant 1024 : i32
      %mul3A_154 = vector.broadcast %mul3A_153 : i32 to vector<16xi32>
      %mul3A_155 = arith.muli %iota3A, %mul3A_154 : vector<16xi32>
      %add3A_156 = arith.addi %mul3A_155, %get3A_152 : vector<16xi32>
      tpu.vector_store_idx %arg18[%add3A_156], %broadcast_in_dim3A_3 {add = true} : memref<16384xf32, #tpu.memory_space<vmem>>[vector<16xi32>], vector<16xf32>,
      %get3A_157 = arith.constant 0 : i32
      %get3A_158 = arith.index_cast %get3A_157 : i32 to index
      %get3A_159 = arith.constant 32 : index
      %get3A_160 = tpu.vector_load %arg13[%get3A_158, %get3A_159] {strides = array<i32>} : memref<1x128xi32, #tpu.memory_space<vmem>>, vector<16xi32>,
      %mul3A_161 = arith.constant 1024 : i32
      %mul3A_162 = vector.broadcast %mul3A_161 : i32 to vector<16xi32>
      %mul3A_163 = arith.muli %iota3A, %mul3A_162 : vector<16xi32>
      %add3A_164 = arith.addi %mul3A_163, %get3A_160 : vector<16xi32>
      tpu.vector_store_idx %arg18[%add3A_164], %broadcast_in_dim3A_3 {add = true} : memref<16384xf32, #tpu.memory_space<vmem>>[vector<16xi32>], vector<16xf32>,
      %get3A_165 = arith.constant 0 : i32
      %get3A_166 = arith.index_cast %get3A_165 : i32 to index
      %get3A_167 = arith.constant 48 : index
      %get3A_168 = tpu.vector_load %arg13[%get3A_166, %get3A_167] {strides = array<i32>} : memref<1x128xi32, #tpu.memory_space<vmem>>, vector<16xi32>,
      %mul3A_169 = arith.constant 1024 : i32
      %mul3A_170 = vector.broadcast %mul3A_169 : i32 to vector<16xi32>
      %mul3A_171 = arith.muli %iota3A, %mul3A_170 : vector<16xi32>
      %add3A_172 = arith.addi %mul3A_171, %get3A_168 : vector<16xi32>
      tpu.vector_store_idx %arg18[%add3A_172], %broadcast_in_dim3A_3 {add = true} : memref<16384xf32, #tpu.memory_space<vmem>>[vector<16xi32>], vector<16xf32>,
      %get3A_173 = arith.constant 0 : i32
      %get3A_174 = arith.index_cast %get3A_173 : i32 to index
      %get3A_175 = arith.constant 64 : index
      %get3A_176 = tpu.vector_load %arg13[%get3A_174, %get3A_175] {strides = array<i32>} : memref<1x128xi32, #tpu.memory_space<vmem>>, vector<16xi32>,
      %mul3A_177 = arith.constant 1024 : i32
      %mul3A_178 = vector.broadcast %mul3A_177 : i32 to vector<16xi32>
      %mul3A_179 = arith.muli %iota3A, %mul3A_178 : vector<16xi32>
      %add3A_180 = arith.addi %mul3A_179, %get3A_176 : vector<16xi32>
      tpu.vector_store_idx %arg18[%add3A_180], %broadcast_in_dim3A_3 {add = true} : memref<16384xf32, #tpu.memory_space<vmem>>[vector<16xi32>], vector<16xf32>,
      %get3A_181 = arith.constant 0 : i32
      %get3A_182 = arith.index_cast %get3A_181 : i32 to index
      %get3A_183 = arith.constant 80 : index
      %get3A_184 = tpu.vector_load %arg13[%get3A_182, %get3A_183] {strides = array<i32>} : memref<1x128xi32, #tpu.memory_space<vmem>>, vector<16xi32>,
      %mul3A_185 = arith.constant 1024 : i32
      %mul3A_186 = vector.broadcast %mul3A_185 : i32 to vector<16xi32>
      %mul3A_187 = arith.muli %iota3A, %mul3A_186 : vector<16xi32>
      %add3A_188 = arith.addi %mul3A_187, %get3A_184 : vector<16xi32>
      tpu.vector_store_idx %arg18[%add3A_188], %broadcast_in_dim3A_3 {add = true} : memref<16384xf32, #tpu.memory_space<vmem>>[vector<16xi32>], vector<16xf32>,
      %get3A_189 = arith.constant 0 : i32
      %get3A_190 = arith.index_cast %get3A_189 : i32 to index
      %get3A_191 = arith.constant 96 : index
      %get3A_192 = tpu.vector_load %arg13[%get3A_190, %get3A_191] {strides = array<i32>} : memref<1x128xi32, #tpu.memory_space<vmem>>, vector<16xi32>,
      %mul3A_193 = arith.constant 1024 : i32
      %mul3A_194 = vector.broadcast %mul3A_193 : i32 to vector<16xi32>
      %mul3A_195 = arith.muli %iota3A, %mul3A_194 : vector<16xi32>
      %add3A_196 = arith.addi %mul3A_195, %get3A_192 : vector<16xi32>
      tpu.vector_store_idx %arg18[%add3A_196], %broadcast_in_dim3A_3 {add = true} : memref<16384xf32, #tpu.memory_space<vmem>>[vector<16xi32>], vector<16xf32>,
      %get3A_197 = arith.constant 0 : i32
      %get3A_198 = arith.index_cast %get3A_197 : i32 to index
      %get3A_199 = arith.constant 112 : index
      %get3A_200 = tpu.vector_load %arg13[%get3A_198, %get3A_199] {strides = array<i32>} : memref<1x128xi32, #tpu.memory_space<vmem>>, vector<16xi32>,
      %mul3A_201 = arith.constant 1024 : i32
      %mul3A_202 = vector.broadcast %mul3A_201 : i32 to vector<16xi32>
      %mul3A_203 = arith.muli %iota3A, %mul3A_202 : vector<16xi32>
      %add3A_204 = arith.addi %mul3A_203, %get3A_200 : vector<16xi32>
      tpu.vector_store_idx %arg18[%add3A_204], %broadcast_in_dim3A_3 {add = true} : memref<16384xf32, #tpu.memory_space<vmem>>[vector<16xi32>], vector<16xf32>,
      %ge3A = arith.constant 2 : i32
      %ge3A_205 = arith.cmpi sge, %add3A_116, %ge3A : i32
      %convert_element_type3A_206 = arith.extui %ge3A_205 : i1 to i32
      %cond3A_207 = arith.constant 0 : i32
      %cond3A_208 = arith.cmpi ne, %convert_element_type3A_206, %cond3A_207 : i32
      scf.if %cond3A_208 {
        %dma_wait3A_524 = arith.constant 0 : i32
        %dma_wait3A_525 = arith.constant 0 : i32
        %dma_wait3A_526 = tpu.memref_slice %arg15[%dma_wait3A_524, %dma_wait3A_525] : memref<1x128xi32, #tpu.memory_space<vmem>> -> memref<1x128xi32, #tpu.memory_space<vmem>>
        %dma_wait3A_527 = tpu.memref_squeeze %dma_wait3A_526 : memref<1x128xi32, #tpu.memory_space<vmem>> -> memref<128xi32, #tpu.memory_space<vmem>>
        %dma_wait3A_528 = arith.constant 0 : i32
        %dma_wait3A_529 = arith.constant 0 : i32
        %dma_wait3A_530 = tpu.memref_slice %arg35[%dma_wait3A_528, %dma_wait3A_529] : memref<1024x128xf32, #tpu.memory_space<vmem_shared>> -> memref<1024x128xf32, #tpu.memory_space<vmem_shared>>
        tpu.wait_indirect_dma semaphore(%arg33 : memref<!tpu.dma_semaphore, #tpu.memory_space<semaphore_mem>>) src(%arg11 : memref<128x128xf32, #tpu.memory_space<vmem>>) dst(%dma_wait3A_530 : memref<1024x128xf32, #tpu.memory_space<vmem_shared>>)
      } else {
      }
      %add3A_209 = arith.constant 2 : i32
      %add3A_210 = arith.addi %add3A_116, %add3A_209 : i32
      %lt3A_211 = arith.cmpi slt, %add3A_210, %add3A_7 : i32
      %convert_element_type3A_212 = arith.extui %lt3A_211 : i1 to i32
      %cond3A_213 = arith.constant 0 : i32
      %cond3A_214 = arith.cmpi ne, %convert_element_type3A_212, %cond3A_213 : i32
      scf.if %cond3A_214 {
        %add3A_524 = arith.constant 2 : i32
        %add3A_525 = arith.addi %add3A_116, %add3A_524 : i32
        %mul3A_526 = arith.constant 32 : i32
        %mul3A_527 = arith.muli %add3A_525, %mul3A_526 : i32
        %add3A_528 = arith.addi %add3A, %mul3A_527 : i32
        %mul3A_529 = arith.constant 128 : i32
        %mul3A_530 = arith.muli %add3A_528, %mul3A_529 : i32
        %dma_start3A_531 = arith.constant 0 : i32
        %dma_start3A_532 = tpu.memref_slice %arg2[%mul3A_530, %dma_start3A_531] : memref<100000x128xf32, #tpu.memory_space<hbm>> -> memref<128x128xf32, #tpu.memory_space<hbm>>
        %dma_start3A_533 = arith.constant 0 : i32
        %dma_start3A_534 = tpu.memref_slice %arg2[%mul3A_530, %dma_start3A_533] : memref<100000x128xf32, #tpu.memory_space<hbm>> -> memref<128x128xf32, #tpu.memory_space<hbm>>
        tpu.enqueue_dma source(%dma_start3A_534 : memref<128x128xf32, #tpu.memory_space<hbm>>) target(%arg11 : memref<128x128xf32, #tpu.memory_space<vmem>>) target_semaphore(%arg25 : memref<!tpu.dma_semaphore, #tpu.memory_space<semaphore_mem>>)
        %dma_start3A_535 = arith.constant 0 : i32
        %dma_start3A_536 = arith.constant 0 : i32
        %dma_start3A_537 = tpu.memref_slice %arg15[%dma_start3A_535, %dma_start3A_536] : memref<1x128xi32, #tpu.memory_space<vmem>> -> memref<1x128xi32, #tpu.memory_space<vmem>>
        %dma_start3A_538 = tpu.memref_squeeze %dma_start3A_537 : memref<1x128xi32, #tpu.memory_space<vmem>> -> memref<128xi32, #tpu.memory_space<vmem>>
        %dma_start3A_539 = tpu.memref_slice %arg3[%mul3A_530] : memref<100000xi32, #tpu.memory_space<hbm>> -> memref<128xi32, #tpu.memory_space<hbm>>
        %dma_start3A_540 = arith.constant 0 : i32
        %dma_start3A_541 = tpu.memref_slice %arg15[%dma_start3A_535, %dma_start3A_540] : memref<1x128xi32, #tpu.memory_space<vmem>> -> memref<1x128xi32, #tpu.memory_space<vmem>>
        %dma_start3A_542 = tpu.memref_squeeze %dma_start3A_541 : memref<1x128xi32, #tpu.memory_space<vmem>> -> memref<128xi32, #tpu.memory_space<vmem>>
        %dma_start3A_543 = tpu.memref_slice %arg3[%mul3A_530] : memref<100000xi32, #tpu.memory_space<hbm>> -> memref<128xi32, #tpu.memory_space<hbm>>
        tpu.enqueue_dma source(%dma_start3A_543 : memref<128xi32, #tpu.memory_space<hbm>>) target(%dma_start3A_542 : memref<128xi32, #tpu.memory_space<vmem>>) target_semaphore(%arg29 : memref<!tpu.dma_semaphore, #tpu.memory_space<semaphore_mem>>)
      } else {
      }
      %mul3A_215 = arith.constant 4 : i32
      %mul3A_216 = arith.muli %mul3A_215, %scan3A_112 : i32
      %add3A_217 = arith.constant 1 : i32
      %add3A_218 = arith.addi %mul3A_216, %add3A_217 : i32
      %dma_wait3A_219 = arith.constant 0 : i32
      %dma_wait3A_220 = arith.constant 0 : i32
      %dma_wait3A_221 = tpu.memref_slice %arg2[%dma_wait3A_219, %dma_wait3A_220] : memref<100000x128xf32, #tpu.memory_space<hbm>> -> memref<128x128xf32, #tpu.memory_space<hbm>>
      %dma_wait3A_222 = arith.constant 0 : i32
      %dma_wait3A_223 = arith.constant 0 : i32
      %dma_wait3A_224 = tpu.memref_slice %arg2[%dma_wait3A_222, %dma_wait3A_223] : memref<100000x128xf32, #tpu.memory_space<hbm>> -> memref<128x128xf32, #tpu.memory_space<hbm>>
      tpu.wait_dma2 semaphore(%arg24 : memref<!tpu.dma_semaphore, #tpu.memory_space<semaphore_mem>>) src(%dma_wait3A_224 : memref<128x128xf32, #tpu.memory_space<hbm>>) dst(%arg10 : memref<128x128xf32, #tpu.memory_space<vmem>>)
      %dma_wait3A_225 = arith.constant 0 : i32
      %dma_wait3A_226 = arith.constant 0 : i32
      %dma_wait3A_227 = tpu.memref_slice %arg14[%dma_wait3A_225, %dma_wait3A_226] : memref<1x128xi32, #tpu.memory_space<vmem>> -> memref<1x128xi32, #tpu.memory_space<vmem>>
      %dma_wait3A_228 = tpu.memref_squeeze %dma_wait3A_227 : memref<1x128xi32, #tpu.memory_space<vmem>> -> memref<128xi32, #tpu.memory_space<vmem>>
      %dma_wait3A_229 = arith.constant 0 : i32
      %dma_wait3A_230 = tpu.memref_slice %arg3[%dma_wait3A_229] : memref<100000xi32, #tpu.memory_space<hbm>> -> memref<128xi32, #tpu.memory_space<hbm>>
      %dma_wait3A_231 = arith.constant 0 : i32
      %dma_wait3A_232 = tpu.memref_slice %arg14[%dma_wait3A_225, %dma_wait3A_231] : memref<1x128xi32, #tpu.memory_space<vmem>> -> memref<1x128xi32, #tpu.memory_space<vmem>>
      %dma_wait3A_233 = tpu.memref_squeeze %dma_wait3A_232 : memref<1x128xi32, #tpu.memory_space<vmem>> -> memref<128xi32, #tpu.memory_space<vmem>>
      %dma_wait3A_234 = arith.constant 0 : i32
      %dma_wait3A_235 = tpu.memref_slice %arg3[%dma_wait3A_234] : memref<100000xi32, #tpu.memory_space<hbm>> -> memref<128xi32, #tpu.memory_space<hbm>>
      tpu.wait_dma2 semaphore(%arg28 : memref<!tpu.dma_semaphore, #tpu.memory_space<semaphore_mem>>) src(%dma_wait3A_235 : memref<128xi32, #tpu.memory_space<hbm>>) dst(%dma_wait3A_233 : memref<128xi32, #tpu.memory_space<vmem>>)
      %dma_start3A_236 = arith.constant 0 : i32
      %dma_start3A_237 = arith.constant 0 : i32
      %dma_start3A_238 = tpu.memref_slice %arg14[%dma_start3A_236, %dma_start3A_237] : memref<1x128xi32, #tpu.memory_space<vmem>> -> memref<1x128xi32, #tpu.memory_space<vmem>>
      %dma_start3A_239 = tpu.memref_squeeze %dma_start3A_238 : memref<1x128xi32, #tpu.memory_space<vmem>> -> memref<128xi32, #tpu.memory_space<vmem>>
      %dma_start3A_240 = arith.constant 0 : i32
      %dma_start3A_241 = arith.constant 0 : i32
      %dma_start3A_242 = tpu.memref_slice %arg35[%dma_start3A_240, %dma_start3A_241] : memref<1024x128xf32, #tpu.memory_space<vmem_shared>> -> memref<1024x128xf32, #tpu.memory_space<vmem_shared>>
      tpu.enqueue_indirect_dma source(%arg10 : memref<128x128xf32, #tpu.memory_space<vmem>>) target(%dma_start3A_242 : memref<1024x128xf32, #tpu.memory_space<vmem_shared>>) offsets(%dma_start3A_239 : memref<128xi32, #tpu.memory_space<vmem>>) semaphore(%arg32 : memref<!tpu.dma_semaphore, #tpu.memory_space<semaphore_mem>>) {add = true}
      %get3A_243 = arith.constant 0 : i32
      %get3A_244 = arith.index_cast %get3A_243 : i32 to index
      %get3A_245 = arith.constant 0 : index
      %get3A_246 = tpu.vector_load %arg14[%get3A_244, %get3A_245] {strides = array<i32>} : memref<1x128xi32, #tpu.memory_space<vmem>>, vector<16xi32>,
      %mul3A_247 = arith.constant 1024 : i32
      %mul3A_248 = vector.broadcast %mul3A_247 : i32 to vector<16xi32>
      %mul3A_249 = arith.muli %iota3A, %mul3A_248 : vector<16xi32>
      %add3A_250 = arith.addi %mul3A_249, %get3A_246 : vector<16xi32>
      tpu.vector_store_idx %arg18[%add3A_250], %broadcast_in_dim3A_3 {add = true} : memref<16384xf32, #tpu.memory_space<vmem>>[vector<16xi32>], vector<16xf32>,
      %get3A_251 = arith.constant 0 : i32
      %get3A_252 = arith.index_cast %get3A_251 : i32 to index
      %get3A_253 = arith.constant 16 : index
      %get3A_254 = tpu.vector_load %arg14[%get3A_252, %get3A_253] {strides = array<i32>} : memref<1x128xi32, #tpu.memory_space<vmem>>, vector<16xi32>,
      %mul3A_255 = arith.constant 1024 : i32
      %mul3A_256 = vector.broadcast %mul3A_255 : i32 to vector<16xi32>
      %mul3A_257 = arith.muli %iota3A, %mul3A_256 : vector<16xi32>
      %add3A_258 = arith.addi %mul3A_257, %get3A_254 : vector<16xi32>
      tpu.vector_store_idx %arg18[%add3A_258], %broadcast_in_dim3A_3 {add = true} : memref<16384xf32, #tpu.memory_space<vmem>>[vector<16xi32>], vector<16xf32>,
      %get3A_259 = arith.constant 0 : i32
      %get3A_260 = arith.index_cast %get3A_259 : i32 to index
      %get3A_261 = arith.constant 32 : index
      %get3A_262 = tpu.vector_load %arg14[%get3A_260, %get3A_261] {strides = array<i32>} : memref<1x128xi32, #tpu.memory_space<vmem>>, vector<16xi32>,
      %mul3A_263 = arith.constant 1024 : i32
      %mul3A_264 = vector.broadcast %mul3A_263 : i32 to vector<16xi32>
      %mul3A_265 = arith.muli %iota3A, %mul3A_264 : vector<16xi32>
      %add3A_266 = arith.addi %mul3A_265, %get3A_262 : vector<16xi32>
      tpu.vector_store_idx %arg18[%add3A_266], %broadcast_in_dim3A_3 {add = true} : memref<16384xf32, #tpu.memory_space<vmem>>[vector<16xi32>], vector<16xf32>,
      %get3A_267 = arith.constant 0 : i32
      %get3A_268 = arith.index_cast %get3A_267 : i32 to index
      %get3A_269 = arith.constant 48 : index
      %get3A_270 = tpu.vector_load %arg14[%get3A_268, %get3A_269] {strides = array<i32>} : memref<1x128xi32, #tpu.memory_space<vmem>>, vector<16xi32>,
      %mul3A_271 = arith.constant 1024 : i32
      %mul3A_272 = vector.broadcast %mul3A_271 : i32 to vector<16xi32>
      %mul3A_273 = arith.muli %iota3A, %mul3A_272 : vector<16xi32>
      %add3A_274 = arith.addi %mul3A_273, %get3A_270 : vector<16xi32>
      tpu.vector_store_idx %arg18[%add3A_274], %broadcast_in_dim3A_3 {add = true} : memref<16384xf32, #tpu.memory_space<vmem>>[vector<16xi32>], vector<16xf32>,
      %get3A_275 = arith.constant 0 : i32
      %get3A_276 = arith.index_cast %get3A_275 : i32 to index
      %get3A_277 = arith.constant 64 : index
      %get3A_278 = tpu.vector_load %arg14[%get3A_276, %get3A_277] {strides = array<i32>} : memref<1x128xi32, #tpu.memory_space<vmem>>, vector<16xi32>,
      %mul3A_279 = arith.constant 1024 : i32
      %mul3A_280 = vector.broadcast %mul3A_279 : i32 to vector<16xi32>
      %mul3A_281 = arith.muli %iota3A, %mul3A_280 : vector<16xi32>
      %add3A_282 = arith.addi %mul3A_281, %get3A_278 : vector<16xi32>
      tpu.vector_store_idx %arg18[%add3A_282], %broadcast_in_dim3A_3 {add = true} : memref<16384xf32, #tpu.memory_space<vmem>>[vector<16xi32>], vector<16xf32>,
      %get3A_283 = arith.constant 0 : i32
      %get3A_284 = arith.index_cast %get3A_283 : i32 to index
      %get3A_285 = arith.constant 80 : index
      %get3A_286 = tpu.vector_load %arg14[%get3A_284, %get3A_285] {strides = array<i32>} : memref<1x128xi32, #tpu.memory_space<vmem>>, vector<16xi32>,
      %mul3A_287 = arith.constant 1024 : i32
      %mul3A_288 = vector.broadcast %mul3A_287 : i32 to vector<16xi32>
      %mul3A_289 = arith.muli %iota3A, %mul3A_288 : vector<16xi32>
      %add3A_290 = arith.addi %mul3A_289, %get3A_286 : vector<16xi32>
      tpu.vector_store_idx %arg18[%add3A_290], %broadcast_in_dim3A_3 {add = true} : memref<16384xf32, #tpu.memory_space<vmem>>[vector<16xi32>], vector<16xf32>,
      %get3A_291 = arith.constant 0 : i32
      %get3A_292 = arith.index_cast %get3A_291 : i32 to index
      %get3A_293 = arith.constant 96 : index
      %get3A_294 = tpu.vector_load %arg14[%get3A_292, %get3A_293] {strides = array<i32>} : memref<1x128xi32, #tpu.memory_space<vmem>>, vector<16xi32>,
      %mul3A_295 = arith.constant 1024 : i32
      %mul3A_296 = vector.broadcast %mul3A_295 : i32 to vector<16xi32>
      %mul3A_297 = arith.muli %iota3A, %mul3A_296 : vector<16xi32>
      %add3A_298 = arith.addi %mul3A_297, %get3A_294 : vector<16xi32>
      tpu.vector_store_idx %arg18[%add3A_298], %broadcast_in_dim3A_3 {add = true} : memref<16384xf32, #tpu.memory_space<vmem>>[vector<16xi32>], vector<16xf32>,
      %get3A_299 = arith.constant 0 : i32
      %get3A_300 = arith.index_cast %get3A_299 : i32 to index
      %get3A_301 = arith.constant 112 : index
      %get3A_302 = tpu.vector_load %arg14[%get3A_300, %get3A_301] {strides = array<i32>} : memref<1x128xi32, #tpu.memory_space<vmem>>, vector<16xi32>,
      %mul3A_303 = arith.constant 1024 : i32
      %mul3A_304 = vector.broadcast %mul3A_303 : i32 to vector<16xi32>
      %mul3A_305 = arith.muli %iota3A, %mul3A_304 : vector<16xi32>
      %add3A_306 = arith.addi %mul3A_305, %get3A_302 : vector<16xi32>
      tpu.vector_store_idx %arg18[%add3A_306], %broadcast_in_dim3A_3 {add = true} : memref<16384xf32, #tpu.memory_space<vmem>>[vector<16xi32>], vector<16xf32>,
      %ge3A_307 = arith.constant 2 : i32
      %ge3A_308 = arith.cmpi sge, %add3A_218, %ge3A_307 : i32
      %convert_element_type3A_309 = arith.extui %ge3A_308 : i1 to i32
      %cond3A_310 = arith.constant 0 : i32
      %cond3A_311 = arith.cmpi ne, %convert_element_type3A_309, %cond3A_310 : i32
      scf.if %cond3A_311 {
        %dma_wait3A_524 = arith.constant 0 : i32
        %dma_wait3A_525 = arith.constant 0 : i32
        %dma_wait3A_526 = tpu.memref_slice %arg16[%dma_wait3A_524, %dma_wait3A_525] : memref<1x128xi32, #tpu.memory_space<vmem>> -> memref<1x128xi32, #tpu.memory_space<vmem>>
        %dma_wait3A_527 = tpu.memref_squeeze %dma_wait3A_526 : memref<1x128xi32, #tpu.memory_space<vmem>> -> memref<128xi32, #tpu.memory_space<vmem>>
        %dma_wait3A_528 = arith.constant 0 : i32
        %dma_wait3A_529 = arith.constant 0 : i32
        %dma_wait3A_530 = tpu.memref_slice %arg35[%dma_wait3A_528, %dma_wait3A_529] : memref<1024x128xf32, #tpu.memory_space<vmem_shared>> -> memref<1024x128xf32, #tpu.memory_space<vmem_shared>>
        tpu.wait_indirect_dma semaphore(%arg34 : memref<!tpu.dma_semaphore, #tpu.memory_space<semaphore_mem>>) src(%arg12 : memref<128x128xf32, #tpu.memory_space<vmem>>) dst(%dma_wait3A_530 : memref<1024x128xf32, #tpu.memory_space<vmem_shared>>)
      } else {
      }
      %add3A_312 = arith.constant 2 : i32
      %add3A_313 = arith.addi %add3A_218, %add3A_312 : i32
      %lt3A_314 = arith.cmpi slt, %add3A_313, %add3A_7 : i32
      %convert_element_type3A_315 = arith.extui %lt3A_314 : i1 to i32
      %cond3A_316 = arith.constant 0 : i32
      %cond3A_317 = arith.cmpi ne, %convert_element_type3A_315, %cond3A_316 : i32
      scf.if %cond3A_317 {
        %add3A_524 = arith.constant 2 : i32
        %add3A_525 = arith.addi %add3A_218, %add3A_524 : i32
        %mul3A_526 = arith.constant 32 : i32
        %mul3A_527 = arith.muli %add3A_525, %mul3A_526 : i32
        %add3A_528 = arith.addi %add3A, %mul3A_527 : i32
        %mul3A_529 = arith.constant 128 : i32
        %mul3A_530 = arith.muli %add3A_528, %mul3A_529 : i32
        %dma_start3A_531 = arith.constant 0 : i32
        %dma_start3A_532 = tpu.memref_slice %arg2[%mul3A_530, %dma_start3A_531] : memref<100000x128xf32, #tpu.memory_space<hbm>> -> memref<128x128xf32, #tpu.memory_space<hbm>>
        %dma_start3A_533 = arith.constant 0 : i32
        %dma_start3A_534 = tpu.memref_slice %arg2[%mul3A_530, %dma_start3A_533] : memref<100000x128xf32, #tpu.memory_space<hbm>> -> memref<128x128xf32, #tpu.memory_space<hbm>>
        tpu.enqueue_dma source(%dma_start3A_534 : memref<128x128xf32, #tpu.memory_space<hbm>>) target(%arg12 : memref<128x128xf32, #tpu.memory_space<vmem>>) target_semaphore(%arg26 : memref<!tpu.dma_semaphore, #tpu.memory_space<semaphore_mem>>)
        %dma_start3A_535 = arith.constant 0 : i32
        %dma_start3A_536 = arith.constant 0 : i32
        %dma_start3A_537 = tpu.memref_slice %arg16[%dma_start3A_535, %dma_start3A_536] : memref<1x128xi32, #tpu.memory_space<vmem>> -> memref<1x128xi32, #tpu.memory_space<vmem>>
        %dma_start3A_538 = tpu.memref_squeeze %dma_start3A_537 : memref<1x128xi32, #tpu.memory_space<vmem>> -> memref<128xi32, #tpu.memory_space<vmem>>
        %dma_start3A_539 = tpu.memref_slice %arg3[%mul3A_530] : memref<100000xi32, #tpu.memory_space<hbm>> -> memref<128xi32, #tpu.memory_space<hbm>>
        %dma_start3A_540 = arith.constant 0 : i32
        %dma_start3A_541 = tpu.memref_slice %arg16[%dma_start3A_535, %dma_start3A_540] : memref<1x128xi32, #tpu.memory_space<vmem>> -> memref<1x128xi32, #tpu.memory_space<vmem>>
        %dma_start3A_542 = tpu.memref_squeeze %dma_start3A_541 : memref<1x128xi32, #tpu.memory_space<vmem>> -> memref<128xi32, #tpu.memory_space<vmem>>
        %dma_start3A_543 = tpu.memref_slice %arg3[%mul3A_530] : memref<100000xi32, #tpu.memory_space<hbm>> -> memref<128xi32, #tpu.memory_space<hbm>>
        tpu.enqueue_dma source(%dma_start3A_543 : memref<128xi32, #tpu.memory_space<hbm>>) target(%dma_start3A_542 : memref<128xi32, #tpu.memory_space<vmem>>) target_semaphore(%arg30 : memref<!tpu.dma_semaphore, #tpu.memory_space<semaphore_mem>>)
      } else {
      }
      %mul3A_318 = arith.constant 4 : i32
      %mul3A_319 = arith.muli %mul3A_318, %scan3A_112 : i32
      %add3A_320 = arith.constant 2 : i32
      %add3A_321 = arith.addi %mul3A_319, %add3A_320 : i32
      %dma_wait3A_322 = arith.constant 0 : i32
      %dma_wait3A_323 = arith.constant 0 : i32
      %dma_wait3A_324 = tpu.memref_slice %arg2[%dma_wait3A_322, %dma_wait3A_323] : memref<100000x128xf32, #tpu.memory_space<hbm>> -> memref<128x128xf32, #tpu.memory_space<hbm>>
      %dma_wait3A_325 = arith.constant 0 : i32
      %dma_wait3A_326 = arith.constant 0 : i32
      %dma_wait3A_327 = tpu.memref_slice %arg2[%dma_wait3A_325, %dma_wait3A_326] : memref<100000x128xf32, #tpu.memory_space<hbm>> -> memref<128x128xf32, #tpu.memory_space<hbm>>
      tpu.wait_dma2 semaphore(%arg25 : memref<!tpu.dma_semaphore, #tpu.memory_space<semaphore_mem>>) src(%dma_wait3A_327 : memref<128x128xf32, #tpu.memory_space<hbm>>) dst(%arg11 : memref<128x128xf32, #tpu.memory_space<vmem>>)
      %dma_wait3A_328 = arith.constant 0 : i32
      %dma_wait3A_329 = arith.constant 0 : i32
      %dma_wait3A_330 = tpu.memref_slice %arg15[%dma_wait3A_328, %dma_wait3A_329] : memref<1x128xi32, #tpu.memory_space<vmem>> -> memref<1x128xi32, #tpu.memory_space<vmem>>
      %dma_wait3A_331 = tpu.memref_squeeze %dma_wait3A_330 : memref<1x128xi32, #tpu.memory_space<vmem>> -> memref<128xi32, #tpu.memory_space<vmem>>
      %dma_wait3A_332 = arith.constant 0 : i32
      %dma_wait3A_333 = tpu.memref_slice %arg3[%dma_wait3A_332] : memref<100000xi32, #tpu.memory_space<hbm>> -> memref<128xi32, #tpu.memory_space<hbm>>
      %dma_wait3A_334 = arith.constant 0 : i32
      %dma_wait3A_335 = tpu.memref_slice %arg15[%dma_wait3A_328, %dma_wait3A_334] : memref<1x128xi32, #tpu.memory_space<vmem>> -> memref<1x128xi32, #tpu.memory_space<vmem>>
      %dma_wait3A_336 = tpu.memref_squeeze %dma_wait3A_335 : memref<1x128xi32, #tpu.memory_space<vmem>> -> memref<128xi32, #tpu.memory_space<vmem>>
      %dma_wait3A_337 = arith.constant 0 : i32
      %dma_wait3A_338 = tpu.memref_slice %arg3[%dma_wait3A_337] : memref<100000xi32, #tpu.memory_space<hbm>> -> memref<128xi32, #tpu.memory_space<hbm>>
      tpu.wait_dma2 semaphore(%arg29 : memref<!tpu.dma_semaphore, #tpu.memory_space<semaphore_mem>>) src(%dma_wait3A_338 : memref<128xi32, #tpu.memory_space<hbm>>) dst(%dma_wait3A_336 : memref<128xi32, #tpu.memory_space<vmem>>)
      %dma_start3A_339 = arith.constant 0 : i32
      %dma_start3A_340 = arith.constant 0 : i32
      %dma_start3A_341 = tpu.memref_slice %arg15[%dma_start3A_339, %dma_start3A_340] : memref<1x128xi32, #tpu.memory_space<vmem>> -> memref<1x128xi32, #tpu.memory_space<vmem>>
      %dma_start3A_342 = tpu.memref_squeeze %dma_start3A_341 : memref<1x128xi32, #tpu.memory_space<vmem>> -> memref<128xi32, #tpu.memory_space<vmem>>
      %dma_start3A_343 = arith.constant 0 : i32
      %dma_start3A_344 = arith.constant 0 : i32
      %dma_start3A_345 = tpu.memref_slice %arg35[%dma_start3A_343, %dma_start3A_344] : memref<1024x128xf32, #tpu.memory_space<vmem_shared>> -> memref<1024x128xf32, #tpu.memory_space<vmem_shared>>
      tpu.enqueue_indirect_dma source(%arg11 : memref<128x128xf32, #tpu.memory_space<vmem>>) target(%dma_start3A_345 : memref<1024x128xf32, #tpu.memory_space<vmem_shared>>) offsets(%dma_start3A_342 : memref<128xi32, #tpu.memory_space<vmem>>) semaphore(%arg33 : memref<!tpu.dma_semaphore, #tpu.memory_space<semaphore_mem>>) {add = true}
      %get3A_346 = arith.constant 0 : i32
      %get3A_347 = arith.index_cast %get3A_346 : i32 to index
      %get3A_348 = arith.constant 0 : index
      %get3A_349 = tpu.vector_load %arg15[%get3A_347, %get3A_348] {strides = array<i32>} : memref<1x128xi32, #tpu.memory_space<vmem>>, vector<16xi32>,
      %mul3A_350 = arith.constant 1024 : i32
      %mul3A_351 = vector.broadcast %mul3A_350 : i32 to vector<16xi32>
      %mul3A_352 = arith.muli %iota3A, %mul3A_351 : vector<16xi32>
      %add3A_353 = arith.addi %mul3A_352, %get3A_349 : vector<16xi32>
      tpu.vector_store_idx %arg18[%add3A_353], %broadcast_in_dim3A_3 {add = true} : memref<16384xf32, #tpu.memory_space<vmem>>[vector<16xi32>], vector<16xf32>,
      %get3A_354 = arith.constant 0 : i32
      %get3A_355 = arith.index_cast %get3A_354 : i32 to index
      %get3A_356 = arith.constant 16 : index
      %get3A_357 = tpu.vector_load %arg15[%get3A_355, %get3A_356] {strides = array<i32>} : memref<1x128xi32, #tpu.memory_space<vmem>>, vector<16xi32>,
      %mul3A_358 = arith.constant 1024 : i32
      %mul3A_359 = vector.broadcast %mul3A_358 : i32 to vector<16xi32>
      %mul3A_360 = arith.muli %iota3A, %mul3A_359 : vector<16xi32>
      %add3A_361 = arith.addi %mul3A_360, %get3A_357 : vector<16xi32>
      tpu.vector_store_idx %arg18[%add3A_361], %broadcast_in_dim3A_3 {add = true} : memref<16384xf32, #tpu.memory_space<vmem>>[vector<16xi32>], vector<16xf32>,
      %get3A_362 = arith.constant 0 : i32
      %get3A_363 = arith.index_cast %get3A_362 : i32 to index
      %get3A_364 = arith.constant 32 : index
      %get3A_365 = tpu.vector_load %arg15[%get3A_363, %get3A_364] {strides = array<i32>} : memref<1x128xi32, #tpu.memory_space<vmem>>, vector<16xi32>,
      %mul3A_366 = arith.constant 1024 : i32
      %mul3A_367 = vector.broadcast %mul3A_366 : i32 to vector<16xi32>
      %mul3A_368 = arith.muli %iota3A, %mul3A_367 : vector<16xi32>
      %add3A_369 = arith.addi %mul3A_368, %get3A_365 : vector<16xi32>
      tpu.vector_store_idx %arg18[%add3A_369], %broadcast_in_dim3A_3 {add = true} : memref<16384xf32, #tpu.memory_space<vmem>>[vector<16xi32>], vector<16xf32>,
      %get3A_370 = arith.constant 0 : i32
      %get3A_371 = arith.index_cast %get3A_370 : i32 to index
      %get3A_372 = arith.constant 48 : index
      %get3A_373 = tpu.vector_load %arg15[%get3A_371, %get3A_372] {strides = array<i32>} : memref<1x128xi32, #tpu.memory_space<vmem>>, vector<16xi32>,
      %mul3A_374 = arith.constant 1024 : i32
      %mul3A_375 = vector.broadcast %mul3A_374 : i32 to vector<16xi32>
      %mul3A_376 = arith.muli %iota3A, %mul3A_375 : vector<16xi32>
      %add3A_377 = arith.addi %mul3A_376, %get3A_373 : vector<16xi32>
      tpu.vector_store_idx %arg18[%add3A_377], %broadcast_in_dim3A_3 {add = true} : memref<16384xf32, #tpu.memory_space<vmem>>[vector<16xi32>], vector<16xf32>,
      %get3A_378 = arith.constant 0 : i32
      %get3A_379 = arith.index_cast %get3A_378 : i32 to index
      %get3A_380 = arith.constant 64 : index
      %get3A_381 = tpu.vector_load %arg15[%get3A_379, %get3A_380] {strides = array<i32>} : memref<1x128xi32, #tpu.memory_space<vmem>>, vector<16xi32>,
      %mul3A_382 = arith.constant 1024 : i32
      %mul3A_383 = vector.broadcast %mul3A_382 : i32 to vector<16xi32>
      %mul3A_384 = arith.muli %iota3A, %mul3A_383 : vector<16xi32>
      %add3A_385 = arith.addi %mul3A_384, %get3A_381 : vector<16xi32>
      tpu.vector_store_idx %arg18[%add3A_385], %broadcast_in_dim3A_3 {add = true} : memref<16384xf32, #tpu.memory_space<vmem>>[vector<16xi32>], vector<16xf32>,
      %get3A_386 = arith.constant 0 : i32
      %get3A_387 = arith.index_cast %get3A_386 : i32 to index
      %get3A_388 = arith.constant 80 : index
      %get3A_389 = tpu.vector_load %arg15[%get3A_387, %get3A_388] {strides = array<i32>} : memref<1x128xi32, #tpu.memory_space<vmem>>, vector<16xi32>,
      %mul3A_390 = arith.constant 1024 : i32
      %mul3A_391 = vector.broadcast %mul3A_390 : i32 to vector<16xi32>
      %mul3A_392 = arith.muli %iota3A, %mul3A_391 : vector<16xi32>
      %add3A_393 = arith.addi %mul3A_392, %get3A_389 : vector<16xi32>
      tpu.vector_store_idx %arg18[%add3A_393], %broadcast_in_dim3A_3 {add = true} : memref<16384xf32, #tpu.memory_space<vmem>>[vector<16xi32>], vector<16xf32>,
      %get3A_394 = arith.constant 0 : i32
      %get3A_395 = arith.index_cast %get3A_394 : i32 to index
      %get3A_396 = arith.constant 96 : index
      %get3A_397 = tpu.vector_load %arg15[%get3A_395, %get3A_396] {strides = array<i32>} : memref<1x128xi32, #tpu.memory_space<vmem>>, vector<16xi32>,
      %mul3A_398 = arith.constant 1024 : i32
      %mul3A_399 = vector.broadcast %mul3A_398 : i32 to vector<16xi32>
      %mul3A_400 = arith.muli %iota3A, %mul3A_399 : vector<16xi32>
      %add3A_401 = arith.addi %mul3A_400, %get3A_397 : vector<16xi32>
      tpu.vector_store_idx %arg18[%add3A_401], %broadcast_in_dim3A_3 {add = true} : memref<16384xf32, #tpu.memory_space<vmem>>[vector<16xi32>], vector<16xf32>,
      %get3A_402 = arith.constant 0 : i32
      %get3A_403 = arith.index_cast %get3A_402 : i32 to index
      %get3A_404 = arith.constant 112 : index
      %get3A_405 = tpu.vector_load %arg15[%get3A_403, %get3A_404] {strides = array<i32>} : memref<1x128xi32, #tpu.memory_space<vmem>>, vector<16xi32>,
      %mul3A_406 = arith.constant 1024 : i32
      %mul3A_407 = vector.broadcast %mul3A_406 : i32 to vector<16xi32>
      %mul3A_408 = arith.muli %iota3A, %mul3A_407 : vector<16xi32>
      %add3A_409 = arith.addi %mul3A_408, %get3A_405 : vector<16xi32>
      tpu.vector_store_idx %arg18[%add3A_409], %broadcast_in_dim3A_3 {add = true} : memref<16384xf32, #tpu.memory_space<vmem>>[vector<16xi32>], vector<16xf32>,
      %ge3A_410 = arith.constant 2 : i32
      %ge3A_411 = arith.cmpi sge, %add3A_321, %ge3A_410 : i32
      %convert_element_type3A_412 = arith.extui %ge3A_411 : i1 to i32
      %cond3A_413 = arith.constant 0 : i32
      %cond3A_414 = arith.cmpi ne, %convert_element_type3A_412, %cond3A_413 : i32
      scf.if %cond3A_414 {
        %dma_wait3A_524 = arith.constant 0 : i32
        %dma_wait3A_525 = arith.constant 0 : i32
        %dma_wait3A_526 = tpu.memref_slice %arg13[%dma_wait3A_524, %dma_wait3A_525] : memref<1x128xi32, #tpu.memory_space<vmem>> -> memref<1x128xi32, #tpu.memory_space<vmem>>
        %dma_wait3A_527 = tpu.memref_squeeze %dma_wait3A_526 : memref<1x128xi32, #tpu.memory_space<vmem>> -> memref<128xi32, #tpu.memory_space<vmem>>
        %dma_wait3A_528 = arith.constant 0 : i32
        %dma_wait3A_529 = arith.constant 0 : i32
        %dma_wait3A_530 = tpu.memref_slice %arg35[%dma_wait3A_528, %dma_wait3A_529] : memref<1024x128xf32, #tpu.memory_space<vmem_shared>> -> memref<1024x128xf32, #tpu.memory_space<vmem_shared>>
        tpu.wait_indirect_dma semaphore(%arg31 : memref<!tpu.dma_semaphore, #tpu.memory_space<semaphore_mem>>) src(%arg9 : memref<128x128xf32, #tpu.memory_space<vmem>>) dst(%dma_wait3A_530 : memref<1024x128xf32, #tpu.memory_space<vmem_shared>>)
      } else {
      }
      %add3A_415 = arith.constant 2 : i32
      %add3A_416 = arith.addi %add3A_321, %add3A_415 : i32
      %lt3A_417 = arith.cmpi slt, %add3A_416, %add3A_7 : i32
      %convert_element_type3A_418 = arith.extui %lt3A_417 : i1 to i32
      %cond3A_419 = arith.constant 0 : i32
      %cond3A_420 = arith.cmpi ne, %convert_element_type3A_418, %cond3A_419 : i32
      scf.if %cond3A_420 {
        %add3A_524 = arith.constant 2 : i32
        %add3A_525 = arith.addi %add3A_321, %add3A_524 : i32
        %mul3A_526 = arith.constant 32 : i32
        %mul3A_527 = arith.muli %add3A_525, %mul3A_526 : i32
        %add3A_528 = arith.addi %add3A, %mul3A_527 : i32
        %mul3A_529 = arith.constant 128 : i32
        %mul3A_530 = arith.muli %add3A_528, %mul3A_529 : i32
        %dma_start3A_531 = arith.constant 0 : i32
        %dma_start3A_532 = tpu.memref_slice %arg2[%mul3A_530, %dma_start3A_531] : memref<100000x128xf32, #tpu.memory_space<hbm>> -> memref<128x128xf32, #tpu.memory_space<hbm>>
        %dma_start3A_533 = arith.constant 0 : i32
        %dma_start3A_534 = tpu.memref_slice %arg2[%mul3A_530, %dma_start3A_533] : memref<100000x128xf32, #tpu.memory_space<hbm>> -> memref<128x128xf32, #tpu.memory_space<hbm>>
        tpu.enqueue_dma source(%dma_start3A_534 : memref<128x128xf32, #tpu.memory_space<hbm>>) target(%arg9 : memref<128x128xf32, #tpu.memory_space<vmem>>) target_semaphore(%arg23 : memref<!tpu.dma_semaphore, #tpu.memory_space<semaphore_mem>>)
        %dma_start3A_535 = arith.constant 0 : i32
        %dma_start3A_536 = arith.constant 0 : i32
        %dma_start3A_537 = tpu.memref_slice %arg13[%dma_start3A_535, %dma_start3A_536] : memref<1x128xi32, #tpu.memory_space<vmem>> -> memref<1x128xi32, #tpu.memory_space<vmem>>
        %dma_start3A_538 = tpu.memref_squeeze %dma_start3A_537 : memref<1x128xi32, #tpu.memory_space<vmem>> -> memref<128xi32, #tpu.memory_space<vmem>>
        %dma_start3A_539 = tpu.memref_slice %arg3[%mul3A_530] : memref<100000xi32, #tpu.memory_space<hbm>> -> memref<128xi32, #tpu.memory_space<hbm>>
        %dma_start3A_540 = arith.constant 0 : i32
        %dma_start3A_541 = tpu.memref_slice %arg13[%dma_start3A_535, %dma_start3A_540] : memref<1x128xi32, #tpu.memory_space<vmem>> -> memref<1x128xi32, #tpu.memory_space<vmem>>
        %dma_start3A_542 = tpu.memref_squeeze %dma_start3A_541 : memref<1x128xi32, #tpu.memory_space<vmem>> -> memref<128xi32, #tpu.memory_space<vmem>>
        %dma_start3A_543 = tpu.memref_slice %arg3[%mul3A_530] : memref<100000xi32, #tpu.memory_space<hbm>> -> memref<128xi32, #tpu.memory_space<hbm>>
        tpu.enqueue_dma source(%dma_start3A_543 : memref<128xi32, #tpu.memory_space<hbm>>) target(%dma_start3A_542 : memref<128xi32, #tpu.memory_space<vmem>>) target_semaphore(%arg27 : memref<!tpu.dma_semaphore, #tpu.memory_space<semaphore_mem>>)
      } else {
      }
      %mul3A_421 = arith.constant 4 : i32
      %mul3A_422 = arith.muli %mul3A_421, %scan3A_112 : i32
      %add3A_423 = arith.constant 3 : i32
      %add3A_424 = arith.addi %mul3A_422, %add3A_423 : i32
      %dma_wait3A_425 = arith.constant 0 : i32
      %dma_wait3A_426 = arith.constant 0 : i32
      %dma_wait3A_427 = tpu.memref_slice %arg2[%dma_wait3A_425, %dma_wait3A_426] : memref<100000x128xf32, #tpu.memory_space<hbm>> -> memref<128x128xf32, #tpu.memory_space<hbm>>
      %dma_wait3A_428 = arith.constant 0 : i32
      %dma_wait3A_429 = arith.constant 0 : i32
      %dma_wait3A_430 = tpu.memref_slice %arg2[%dma_wait3A_428, %dma_wait3A_429] : memref<100000x128xf32, #tpu.memory_space<hbm>> -> memref<128x128xf32, #tpu.memory_space<hbm>>
      tpu.wait_dma2 semaphore(%arg26 : memref<!tpu.dma_semaphore, #tpu.memory_space<semaphore_mem>>) src(%dma_wait3A_430 : memref<128x128xf32, #tpu.memory_space<hbm>>) dst(%arg12 : memref<128x128xf32, #tpu.memory_space<vmem>>)
      %dma_wait3A_431 = arith.constant 0 : i32
      %dma_wait3A_432 = arith.constant 0 : i32
      %dma_wait3A_433 = tpu.memref_slice %arg16[%dma_wait3A_431, %dma_wait3A_432] : memref<1x128xi32, #tpu.memory_space<vmem>> -> memref<1x128xi32, #tpu.memory_space<vmem>>
      %dma_wait3A_434 = tpu.memref_squeeze %dma_wait3A_433 : memref<1x128xi32, #tpu.memory_space<vmem>> -> memref<128xi32, #tpu.memory_space<vmem>>
      %dma_wait3A_435 = arith.constant 0 : i32
      %dma_wait3A_436 = tpu.memref_slice %arg3[%dma_wait3A_435] : memref<100000xi32, #tpu.memory_space<hbm>> -> memref<128xi32, #tpu.memory_space<hbm>>
      %dma_wait3A_437 = arith.constant 0 : i32
      %dma_wait3A_438 = tpu.memref_slice %arg16[%dma_wait3A_431, %dma_wait3A_437] : memref<1x128xi32, #tpu.memory_space<vmem>> -> memref<1x128xi32, #tpu.memory_space<vmem>>
      %dma_wait3A_439 = tpu.memref_squeeze %dma_wait3A_438 : memref<1x128xi32, #tpu.memory_space<vmem>> -> memref<128xi32, #tpu.memory_space<vmem>>
      %dma_wait3A_440 = arith.constant 0 : i32
      %dma_wait3A_441 = tpu.memref_slice %arg3[%dma_wait3A_440] : memref<100000xi32, #tpu.memory_space<hbm>> -> memref<128xi32, #tpu.memory_space<hbm>>
      tpu.wait_dma2 semaphore(%arg30 : memref<!tpu.dma_semaphore, #tpu.memory_space<semaphore_mem>>) src(%dma_wait3A_441 : memref<128xi32, #tpu.memory_space<hbm>>) dst(%dma_wait3A_439 : memref<128xi32, #tpu.memory_space<vmem>>)
      %dma_start3A_442 = arith.constant 0 : i32
      %dma_start3A_443 = arith.constant 0 : i32
      %dma_start3A_444 = tpu.memref_slice %arg16[%dma_start3A_442, %dma_start3A_443] : memref<1x128xi32, #tpu.memory_space<vmem>> -> memref<1x128xi32, #tpu.memory_space<vmem>>
      %dma_start3A_445 = tpu.memref_squeeze %dma_start3A_444 : memref<1x128xi32, #tpu.memory_space<vmem>> -> memref<128xi32, #tpu.memory_space<vmem>>
      %dma_start3A_446 = arith.constant 0 : i32
      %dma_start3A_447 = arith.constant 0 : i32
      %dma_start3A_448 = tpu.memref_slice %arg35[%dma_start3A_446, %dma_start3A_447] : memref<1024x128xf32, #tpu.memory_space<vmem_shared>> -> memref<1024x128xf32, #tpu.memory_space<vmem_shared>>
      tpu.enqueue_indirect_dma source(%arg12 : memref<128x128xf32, #tpu.memory_space<vmem>>) target(%dma_start3A_448 : memref<1024x128xf32, #tpu.memory_space<vmem_shared>>) offsets(%dma_start3A_445 : memref<128xi32, #tpu.memory_space<vmem>>) semaphore(%arg34 : memref<!tpu.dma_semaphore, #tpu.memory_space<semaphore_mem>>) {add = true}
      %get3A_449 = arith.constant 0 : i32
      %get3A_450 = arith.index_cast %get3A_449 : i32 to index
      %get3A_451 = arith.constant 0 : index
      %get3A_452 = tpu.vector_load %arg16[%get3A_450, %get3A_451] {strides = array<i32>} : memref<1x128xi32, #tpu.memory_space<vmem>>, vector<16xi32>,
      %mul3A_453 = arith.constant 1024 : i32
      %mul3A_454 = vector.broadcast %mul3A_453 : i32 to vector<16xi32>
      %mul3A_455 = arith.muli %iota3A, %mul3A_454 : vector<16xi32>
      %add3A_456 = arith.addi %mul3A_455, %get3A_452 : vector<16xi32>
      tpu.vector_store_idx %arg18[%add3A_456], %broadcast_in_dim3A_3 {add = true} : memref<16384xf32, #tpu.memory_space<vmem>>[vector<16xi32>], vector<16xf32>,
      %get3A_457 = arith.constant 0 : i32
      %get3A_458 = arith.index_cast %get3A_457 : i32 to index
      %get3A_459 = arith.constant 16 : index
      %get3A_460 = tpu.vector_load %arg16[%get3A_458, %get3A_459] {strides = array<i32>} : memref<1x128xi32, #tpu.memory_space<vmem>>, vector<16xi32>,
      %mul3A_461 = arith.constant 1024 : i32
      %mul3A_462 = vector.broadcast %mul3A_461 : i32 to vector<16xi32>
      %mul3A_463 = arith.muli %iota3A, %mul3A_462 : vector<16xi32>
      %add3A_464 = arith.addi %mul3A_463, %get3A_460 : vector<16xi32>
      tpu.vector_store_idx %arg18[%add3A_464], %broadcast_in_dim3A_3 {add = true} : memref<16384xf32, #tpu.memory_space<vmem>>[vector<16xi32>], vector<16xf32>,
      %get3A_465 = arith.constant 0 : i32
      %get3A_466 = arith.index_cast %get3A_465 : i32 to index
      %get3A_467 = arith.constant 32 : index
      %get3A_468 = tpu.vector_load %arg16[%get3A_466, %get3A_467] {strides = array<i32>} : memref<1x128xi32, #tpu.memory_space<vmem>>, vector<16xi32>,
      %mul3A_469 = arith.constant 1024 : i32
      %mul3A_470 = vector.broadcast %mul3A_469 : i32 to vector<16xi32>
      %mul3A_471 = arith.muli %iota3A, %mul3A_470 : vector<16xi32>
      %add3A_472 = arith.addi %mul3A_471, %get3A_468 : vector<16xi32>
      tpu.vector_store_idx %arg18[%add3A_472], %broadcast_in_dim3A_3 {add = true} : memref<16384xf32, #tpu.memory_space<vmem>>[vector<16xi32>], vector<16xf32>,
      %get3A_473 = arith.constant 0 : i32
      %get3A_474 = arith.index_cast %get3A_473 : i32 to index
      %get3A_475 = arith.constant 48 : index
      %get3A_476 = tpu.vector_load %arg16[%get3A_474, %get3A_475] {strides = array<i32>} : memref<1x128xi32, #tpu.memory_space<vmem>>, vector<16xi32>,
      %mul3A_477 = arith.constant 1024 : i32
      %mul3A_478 = vector.broadcast %mul3A_477 : i32 to vector<16xi32>
      %mul3A_479 = arith.muli %iota3A, %mul3A_478 : vector<16xi32>
      %add3A_480 = arith.addi %mul3A_479, %get3A_476 : vector<16xi32>
      tpu.vector_store_idx %arg18[%add3A_480], %broadcast_in_dim3A_3 {add = true} : memref<16384xf32, #tpu.memory_space<vmem>>[vector<16xi32>], vector<16xf32>,
      %get3A_481 = arith.constant 0 : i32
      %get3A_482 = arith.index_cast %get3A_481 : i32 to index
      %get3A_483 = arith.constant 64 : index
      %get3A_484 = tpu.vector_load %arg16[%get3A_482, %get3A_483] {strides = array<i32>} : memref<1x128xi32, #tpu.memory_space<vmem>>, vector<16xi32>,
      %mul3A_485 = arith.constant 1024 : i32
      %mul3A_486 = vector.broadcast %mul3A_485 : i32 to vector<16xi32>
      %mul3A_487 = arith.muli %iota3A, %mul3A_486 : vector<16xi32>
      %add3A_488 = arith.addi %mul3A_487, %get3A_484 : vector<16xi32>
      tpu.vector_store_idx %arg18[%add3A_488], %broadcast_in_dim3A_3 {add = true} : memref<16384xf32, #tpu.memory_space<vmem>>[vector<16xi32>], vector<16xf32>,
      %get3A_489 = arith.constant 0 : i32
      %get3A_490 = arith.index_cast %get3A_489 : i32 to index
      %get3A_491 = arith.constant 80 : index
      %get3A_492 = tpu.vector_load %arg16[%get3A_490, %get3A_491] {strides = array<i32>} : memref<1x128xi32, #tpu.memory_space<vmem>>, vector<16xi32>,
      %mul3A_493 = arith.constant 1024 : i32
      %mul3A_494 = vector.broadcast %mul3A_493 : i32 to vector<16xi32>
      %mul3A_495 = arith.muli %iota3A, %mul3A_494 : vector<16xi32>
      %add3A_496 = arith.addi %mul3A_495, %get3A_492 : vector<16xi32>
      tpu.vector_store_idx %arg18[%add3A_496], %broadcast_in_dim3A_3 {add = true} : memref<16384xf32, #tpu.memory_space<vmem>>[vector<16xi32>], vector<16xf32>,
      %get3A_497 = arith.constant 0 : i32
      %get3A_498 = arith.index_cast %get3A_497 : i32 to index
      %get3A_499 = arith.constant 96 : index
      %get3A_500 = tpu.vector_load %arg16[%get3A_498, %get3A_499] {strides = array<i32>} : memref<1x128xi32, #tpu.memory_space<vmem>>, vector<16xi32>,
      %mul3A_501 = arith.constant 1024 : i32
      %mul3A_502 = vector.broadcast %mul3A_501 : i32 to vector<16xi32>
      %mul3A_503 = arith.muli %iota3A, %mul3A_502 : vector<16xi32>
      %add3A_504 = arith.addi %mul3A_503, %get3A_500 : vector<16xi32>
      tpu.vector_store_idx %arg18[%add3A_504], %broadcast_in_dim3A_3 {add = true} : memref<16384xf32, #tpu.memory_space<vmem>>[vector<16xi32>], vector<16xf32>,
      %get3A_505 = arith.constant 0 : i32
      %get3A_506 = arith.index_cast %get3A_505 : i32 to index
      %get3A_507 = arith.constant 112 : index
      %get3A_508 = tpu.vector_load %arg16[%get3A_506, %get3A_507] {strides = array<i32>} : memref<1x128xi32, #tpu.memory_space<vmem>>, vector<16xi32>,
      %mul3A_509 = arith.constant 1024 : i32
      %mul3A_510 = vector.broadcast %mul3A_509 : i32 to vector<16xi32>
      %mul3A_511 = arith.muli %iota3A, %mul3A_510 : vector<16xi32>
      %add3A_512 = arith.addi %mul3A_511, %get3A_508 : vector<16xi32>
      tpu.vector_store_idx %arg18[%add3A_512], %broadcast_in_dim3A_3 {add = true} : memref<16384xf32, #tpu.memory_space<vmem>>[vector<16xi32>], vector<16xf32>,
      %ge3A_513 = arith.constant 2 : i32
      %ge3A_514 = arith.cmpi sge, %add3A_424, %ge3A_513 : i32
      %convert_element_type3A_515 = arith.extui %ge3A_514 : i1 to i32
      %cond3A_516 = arith.constant 0 : i32
      %cond3A_517 = arith.cmpi ne, %convert_element_type3A_515, %cond3A_516 : i32
      scf.if %cond3A_517 {
        %dma_wait3A_524 = arith.constant 0 : i32
        %dma_wait3A_525 = arith.constant 0 : i32
        %dma_wait3A_526 = tpu.memref_slice %arg14[%dma_wait3A_524, %dma_wait3A_525] : memref<1x128xi32, #tpu.memory_space<vmem>> -> memref<1x128xi32, #tpu.memory_space<vmem>>
        %dma_wait3A_527 = tpu.memref_squeeze %dma_wait3A_526 : memref<1x128xi32, #tpu.memory_space<vmem>> -> memref<128xi32, #tpu.memory_space<vmem>>
        %dma_wait3A_528 = arith.constant 0 : i32
        %dma_wait3A_529 = arith.constant 0 : i32
        %dma_wait3A_530 = tpu.memref_slice %arg35[%dma_wait3A_528, %dma_wait3A_529] : memref<1024x128xf32, #tpu.memory_space<vmem_shared>> -> memref<1024x128xf32, #tpu.memory_space<vmem_shared>>
        tpu.wait_indirect_dma semaphore(%arg32 : memref<!tpu.dma_semaphore, #tpu.memory_space<semaphore_mem>>) src(%arg10 : memref<128x128xf32, #tpu.memory_space<vmem>>) dst(%dma_wait3A_530 : memref<1024x128xf32, #tpu.memory_space<vmem_shared>>)
      } else {
      }
      %add3A_518 = arith.constant 2 : i32
      %add3A_519 = arith.addi %add3A_424, %add3A_518 : i32
      %lt3A_520 = arith.cmpi slt, %add3A_519, %add3A_7 : i32
      %convert_element_type3A_521 = arith.extui %lt3A_520 : i1 to i32
      %cond3A_522 = arith.constant 0 : i32
      %cond3A_523 = arith.cmpi ne, %convert_element_type3A_521, %cond3A_522 : i32
      scf.if %cond3A_523 {
        %add3A_524 = arith.constant 2 : i32
        %add3A_525 = arith.addi %add3A_424, %add3A_524 : i32
        %mul3A_526 = arith.constant 32 : i32
        %mul3A_527 = arith.muli %add3A_525, %mul3A_526 : i32
        %add3A_528 = arith.addi %add3A, %mul3A_527 : i32
        %mul3A_529 = arith.constant 128 : i32
        %mul3A_530 = arith.muli %add3A_528, %mul3A_529 : i32
        %dma_start3A_531 = arith.constant 0 : i32
        %dma_start3A_532 = tpu.memref_slice %arg2[%mul3A_530, %dma_start3A_531] : memref<100000x128xf32, #tpu.memory_space<hbm>> -> memref<128x128xf32, #tpu.memory_space<hbm>>
        %dma_start3A_533 = arith.constant 0 : i32
        %dma_start3A_534 = tpu.memref_slice %arg2[%mul3A_530, %dma_start3A_533] : memref<100000x128xf32, #tpu.memory_space<hbm>> -> memref<128x128xf32, #tpu.memory_space<hbm>>
        tpu.enqueue_dma source(%dma_start3A_534 : memref<128x128xf32, #tpu.memory_space<hbm>>) target(%arg10 : memref<128x128xf32, #tpu.memory_space<vmem>>) target_semaphore(%arg24 : memref<!tpu.dma_semaphore, #tpu.memory_space<semaphore_mem>>)
        %dma_start3A_535 = arith.constant 0 : i32
        %dma_start3A_536 = arith.constant 0 : i32
        %dma_start3A_537 = tpu.memref_slice %arg14[%dma_start3A_535, %dma_start3A_536] : memref<1x128xi32, #tpu.memory_space<vmem>> -> memref<1x128xi32, #tpu.memory_space<vmem>>
        %dma_start3A_538 = tpu.memref_squeeze %dma_start3A_537 : memref<1x128xi32, #tpu.memory_space<vmem>> -> memref<128xi32, #tpu.memory_space<vmem>>
        %dma_start3A_539 = tpu.memref_slice %arg3[%mul3A_530] : memref<100000xi32, #tpu.memory_space<hbm>> -> memref<128xi32, #tpu.memory_space<hbm>>
        %dma_start3A_540 = arith.constant 0 : i32
        %dma_start3A_541 = tpu.memref_slice %arg14[%dma_start3A_535, %dma_start3A_540] : memref<1x128xi32, #tpu.memory_space<vmem>> -> memref<1x128xi32, #tpu.memory_space<vmem>>
        %dma_start3A_542 = tpu.memref_squeeze %dma_start3A_541 : memref<1x128xi32, #tpu.memory_space<vmem>> -> memref<128xi32, #tpu.memory_space<vmem>>
        %dma_start3A_543 = tpu.memref_slice %arg3[%mul3A_530] : memref<100000xi32, #tpu.memory_space<hbm>> -> memref<128xi32, #tpu.memory_space<hbm>>
        tpu.enqueue_dma source(%dma_start3A_543 : memref<128xi32, #tpu.memory_space<hbm>>) target(%dma_start3A_542 : memref<128xi32, #tpu.memory_space<vmem>>) target_semaphore(%arg28 : memref<!tpu.dma_semaphore, #tpu.memory_space<semaphore_mem>>)
      } else {
      }
    }
    %scan3A_72 = arith.constant 6 : i32
    %lt3A_73 = arith.constant 13 : i32
    %lt3A_74 = arith.cmpi slt, %add3A, %lt3A_73 : i32
    %convert_element_type3A = arith.extui %lt3A_74 : i1 to i32
    %cond3A = arith.constant 0 : i32
    %cond3A_75 = arith.cmpi ne, %convert_element_type3A, %cond3A : i32
    scf.if %cond3A_75 {
      %dma_wait3A_112 = arith.constant 0 : i32
      %dma_wait3A_113 = arith.constant 0 : i32
      %dma_wait3A_114 = tpu.memref_slice %arg2[%dma_wait3A_112, %dma_wait3A_113] : memref<100000x128xf32, #tpu.memory_space<hbm>> -> memref<128x128xf32, #tpu.memory_space<hbm>>
      %dma_wait3A_115 = arith.constant 0 : i32
      %dma_wait3A_116 = arith.constant 0 : i32
      %dma_wait3A_117 = tpu.memref_slice %arg2[%dma_wait3A_115, %dma_wait3A_116] : memref<100000x128xf32, #tpu.memory_space<hbm>> -> memref<128x128xf32, #tpu.memory_space<hbm>>
      tpu.wait_dma2 semaphore(%arg23 : memref<!tpu.dma_semaphore, #tpu.memory_space<semaphore_mem>>) src(%dma_wait3A_117 : memref<128x128xf32, #tpu.memory_space<hbm>>) dst(%arg9 : memref<128x128xf32, #tpu.memory_space<vmem>>)
      %dma_wait3A_118 = arith.constant 0 : i32
      %dma_wait3A_119 = arith.constant 0 : i32
      %dma_wait3A_120 = tpu.memref_slice %arg13[%dma_wait3A_118, %dma_wait3A_119] : memref<1x128xi32, #tpu.memory_space<vmem>> -> memref<1x128xi32, #tpu.memory_space<vmem>>
      %dma_wait3A_121 = tpu.memref_squeeze %dma_wait3A_120 : memref<1x128xi32, #tpu.memory_space<vmem>> -> memref<128xi32, #tpu.memory_space<vmem>>
      %dma_wait3A_122 = arith.constant 0 : i32
      %dma_wait3A_123 = tpu.memref_slice %arg3[%dma_wait3A_122] : memref<100000xi32, #tpu.memory_space<hbm>> -> memref<128xi32, #tpu.memory_space<hbm>>
      %dma_wait3A_124 = arith.constant 0 : i32
      %dma_wait3A_125 = tpu.memref_slice %arg13[%dma_wait3A_118, %dma_wait3A_124] : memref<1x128xi32, #tpu.memory_space<vmem>> -> memref<1x128xi32, #tpu.memory_space<vmem>>
      %dma_wait3A_126 = tpu.memref_squeeze %dma_wait3A_125 : memref<1x128xi32, #tpu.memory_space<vmem>> -> memref<128xi32, #tpu.memory_space<vmem>>
      %dma_wait3A_127 = arith.constant 0 : i32
      %dma_wait3A_128 = tpu.memref_slice %arg3[%dma_wait3A_127] : memref<100000xi32, #tpu.memory_space<hbm>> -> memref<128xi32, #tpu.memory_space<hbm>>
      tpu.wait_dma2 semaphore(%arg27 : memref<!tpu.dma_semaphore, #tpu.memory_space<semaphore_mem>>) src(%dma_wait3A_128 : memref<128xi32, #tpu.memory_space<hbm>>) dst(%dma_wait3A_126 : memref<128xi32, #tpu.memory_space<vmem>>)
      %dma_start3A_129 = arith.constant 0 : i32
      %dma_start3A_130 = arith.constant 0 : i32
      %dma_start3A_131 = tpu.memref_slice %arg13[%dma_start3A_129, %dma_start3A_130] : memref<1x128xi32, #tpu.memory_space<vmem>> -> memref<1x128xi32, #tpu.memory_space<vmem>>
      %dma_start3A_132 = tpu.memref_squeeze %dma_start3A_131 : memref<1x128xi32, #tpu.memory_space<vmem>> -> memref<128xi32, #tpu.memory_space<vmem>>
      %dma_start3A_133 = arith.constant 0 : i32
      %dma_start3A_134 = arith.constant 0 : i32
      %dma_start3A_135 = tpu.memref_slice %arg35[%dma_start3A_133, %dma_start3A_134] : memref<1024x128xf32, #tpu.memory_space<vmem_shared>> -> memref<1024x128xf32, #tpu.memory_space<vmem_shared>>
      tpu.enqueue_indirect_dma source(%arg9 : memref<128x128xf32, #tpu.memory_space<vmem>>) target(%dma_start3A_135 : memref<1024x128xf32, #tpu.memory_space<vmem_shared>>) offsets(%dma_start3A_132 : memref<128xi32, #tpu.memory_space<vmem>>) semaphore(%arg31 : memref<!tpu.dma_semaphore, #tpu.memory_space<semaphore_mem>>) {add = true}
      %get3A_136 = arith.constant 0 : i32
      %get3A_137 = arith.index_cast %get3A_136 : i32 to index
      %get3A_138 = arith.constant 0 : index
      %get3A_139 = tpu.vector_load %arg13[%get3A_137, %get3A_138] {strides = array<i32>} : memref<1x128xi32, #tpu.memory_space<vmem>>, vector<16xi32>,
      %mul3A_140 = arith.constant 1024 : i32
      %mul3A_141 = vector.broadcast %mul3A_140 : i32 to vector<16xi32>
      %mul3A_142 = arith.muli %iota3A, %mul3A_141 : vector<16xi32>
      %add3A_143 = arith.addi %mul3A_142, %get3A_139 : vector<16xi32>
      tpu.vector_store_idx %arg18[%add3A_143], %broadcast_in_dim3A_3 {add = true} : memref<16384xf32, #tpu.memory_space<vmem>>[vector<16xi32>], vector<16xf32>,
      %get3A_144 = arith.constant 0 : i32
      %get3A_145 = arith.index_cast %get3A_144 : i32 to index
      %get3A_146 = arith.constant 16 : index
      %get3A_147 = tpu.vector_load %arg13[%get3A_145, %get3A_146] {strides = array<i32>} : memref<1x128xi32, #tpu.memory_space<vmem>>, vector<16xi32>,
      %mul3A_148 = arith.constant 1024 : i32
      %mul3A_149 = vector.broadcast %mul3A_148 : i32 to vector<16xi32>
      %mul3A_150 = arith.muli %iota3A, %mul3A_149 : vector<16xi32>
      %add3A_151 = arith.addi %mul3A_150, %get3A_147 : vector<16xi32>
      tpu.vector_store_idx %arg18[%add3A_151], %broadcast_in_dim3A_3 {add = true} : memref<16384xf32, #tpu.memory_space<vmem>>[vector<16xi32>], vector<16xf32>,
      %get3A_152 = arith.constant 0 : i32
      %get3A_153 = arith.index_cast %get3A_152 : i32 to index
      %get3A_154 = arith.constant 32 : index
      %get3A_155 = tpu.vector_load %arg13[%get3A_153, %get3A_154] {strides = array<i32>} : memref<1x128xi32, #tpu.memory_space<vmem>>, vector<16xi32>,
      %mul3A_156 = arith.constant 1024 : i32
      %mul3A_157 = vector.broadcast %mul3A_156 : i32 to vector<16xi32>
      %mul3A_158 = arith.muli %iota3A, %mul3A_157 : vector<16xi32>
      %add3A_159 = arith.addi %mul3A_158, %get3A_155 : vector<16xi32>
      tpu.vector_store_idx %arg18[%add3A_159], %broadcast_in_dim3A_3 {add = true} : memref<16384xf32, #tpu.memory_space<vmem>>[vector<16xi32>], vector<16xf32>,
      %get3A_160 = arith.constant 0 : i32
      %get3A_161 = arith.index_cast %get3A_160 : i32 to index
      %get3A_162 = arith.constant 48 : index
      %get3A_163 = tpu.vector_load %arg13[%get3A_161, %get3A_162] {strides = array<i32>} : memref<1x128xi32, #tpu.memory_space<vmem>>, vector<16xi32>,
      %mul3A_164 = arith.constant 1024 : i32
      %mul3A_165 = vector.broadcast %mul3A_164 : i32 to vector<16xi32>
      %mul3A_166 = arith.muli %iota3A, %mul3A_165 : vector<16xi32>
      %add3A_167 = arith.addi %mul3A_166, %get3A_163 : vector<16xi32>
      tpu.vector_store_idx %arg18[%add3A_167], %broadcast_in_dim3A_3 {add = true} : memref<16384xf32, #tpu.memory_space<vmem>>[vector<16xi32>], vector<16xf32>,
      %get3A_168 = arith.constant 0 : i32
      %get3A_169 = arith.index_cast %get3A_168 : i32 to index
      %get3A_170 = arith.constant 64 : index
      %get3A_171 = tpu.vector_load %arg13[%get3A_169, %get3A_170] {strides = array<i32>} : memref<1x128xi32, #tpu.memory_space<vmem>>, vector<16xi32>,
      %mul3A_172 = arith.constant 1024 : i32
      %mul3A_173 = vector.broadcast %mul3A_172 : i32 to vector<16xi32>
      %mul3A_174 = arith.muli %iota3A, %mul3A_173 : vector<16xi32>
      %add3A_175 = arith.addi %mul3A_174, %get3A_171 : vector<16xi32>
      tpu.vector_store_idx %arg18[%add3A_175], %broadcast_in_dim3A_3 {add = true} : memref<16384xf32, #tpu.memory_space<vmem>>[vector<16xi32>], vector<16xf32>,
      %get3A_176 = arith.constant 0 : i32
      %get3A_177 = arith.index_cast %get3A_176 : i32 to index
      %get3A_178 = arith.constant 80 : index
      %get3A_179 = tpu.vector_load %arg13[%get3A_177, %get3A_178] {strides = array<i32>} : memref<1x128xi32, #tpu.memory_space<vmem>>, vector<16xi32>,
      %mul3A_180 = arith.constant 1024 : i32
      %mul3A_181 = vector.broadcast %mul3A_180 : i32 to vector<16xi32>
      %mul3A_182 = arith.muli %iota3A, %mul3A_181 : vector<16xi32>
      %add3A_183 = arith.addi %mul3A_182, %get3A_179 : vector<16xi32>
      tpu.vector_store_idx %arg18[%add3A_183], %broadcast_in_dim3A_3 {add = true} : memref<16384xf32, #tpu.memory_space<vmem>>[vector<16xi32>], vector<16xf32>,
      %get3A_184 = arith.constant 0 : i32
      %get3A_185 = arith.index_cast %get3A_184 : i32 to index
      %get3A_186 = arith.constant 96 : index
      %get3A_187 = tpu.vector_load %arg13[%get3A_185, %get3A_186] {strides = array<i32>} : memref<1x128xi32, #tpu.memory_space<vmem>>, vector<16xi32>,
      %mul3A_188 = arith.constant 1024 : i32
      %mul3A_189 = vector.broadcast %mul3A_188 : i32 to vector<16xi32>
      %mul3A_190 = arith.muli %iota3A, %mul3A_189 : vector<16xi32>
      %add3A_191 = arith.addi %mul3A_190, %get3A_187 : vector<16xi32>
      tpu.vector_store_idx %arg18[%add3A_191], %broadcast_in_dim3A_3 {add = true} : memref<16384xf32, #tpu.memory_space<vmem>>[vector<16xi32>], vector<16xf32>,
      %get3A_192 = arith.constant 0 : i32
      %get3A_193 = arith.index_cast %get3A_192 : i32 to index
      %get3A_194 = arith.constant 112 : index
      %get3A_195 = tpu.vector_load %arg13[%get3A_193, %get3A_194] {strides = array<i32>} : memref<1x128xi32, #tpu.memory_space<vmem>>, vector<16xi32>,
      %mul3A_196 = arith.constant 1024 : i32
      %mul3A_197 = vector.broadcast %mul3A_196 : i32 to vector<16xi32>
      %mul3A_198 = arith.muli %iota3A, %mul3A_197 : vector<16xi32>
      %add3A_199 = arith.addi %mul3A_198, %get3A_195 : vector<16xi32>
      tpu.vector_store_idx %arg18[%add3A_199], %broadcast_in_dim3A_3 {add = true} : memref<16384xf32, #tpu.memory_space<vmem>>[vector<16xi32>], vector<16xf32>,
    } else {
    }
    %eq3A = arith.constant 31 : i32
    %eq3A_76 = arith.cmpi eq, %add3A, %eq3A : i32
    %convert_element_type3A_77 = arith.extui %eq3A_76 : i1 to i32
    %cond3A_78 = arith.constant 0 : i32
    %cond3A_79 = arith.cmpi ne, %convert_element_type3A_77, %cond3A_78 : i32
    scf.if %cond3A_79 {
      "tpu.region"() ({
        %run_scoped3A_129 = tpu.sem_alloc : memref<!tpu.dma_semaphore, #tpu.memory_space<semaphore_mem>>
        %dma_start3A_130 = arith.constant 0 : i32
        %dma_start3A_131 = arith.constant 0 : i32
        %dma_start3A_132 = tpu.memref_slice %arg9[%dma_start3A_130, %dma_start3A_131] : memref<128x128xf32, #tpu.memory_space<vmem>> -> memref<32x128xf32, #tpu.memory_space<vmem>>
        %dma_start3A_133 = arith.constant 99968 : i32
        %dma_start3A_134 = arith.constant 0 : i32
        %dma_start3A_135 = tpu.memref_slice %arg2[%dma_start3A_133, %dma_start3A_134] : memref<100000x128xf32, #tpu.memory_space<hbm>> -> memref<32x128xf32, #tpu.memory_space<hbm>>
        %dma_start3A_136 = arith.constant 0 : i32
        %dma_start3A_137 = arith.constant 0 : i32
        %dma_start3A_138 = tpu.memref_slice %arg9[%dma_start3A_136, %dma_start3A_137] : memref<128x128xf32, #tpu.memory_space<vmem>> -> memref<32x128xf32, #tpu.memory_space<vmem>>
        %dma_start3A_139 = arith.constant 99968 : i32
        %dma_start3A_140 = arith.constant 0 : i32
        %dma_start3A_141 = tpu.memref_slice %arg2[%dma_start3A_139, %dma_start3A_140] : memref<100000x128xf32, #tpu.memory_space<hbm>> -> memref<32x128xf32, #tpu.memory_space<hbm>>
        tpu.enqueue_dma source(%dma_start3A_141 : memref<32x128xf32, #tpu.memory_space<hbm>>) target(%dma_start3A_138 : memref<32x128xf32, #tpu.memory_space<vmem>>) target_semaphore(%run_scoped3A_129 : memref<!tpu.dma_semaphore, #tpu.memory_space<semaphore_mem>>)
        %dma_wait3A_142 = arith.constant 0 : i32
        %dma_wait3A_143 = arith.constant 0 : i32
        %dma_wait3A_144 = tpu.memref_slice %arg9[%dma_wait3A_142, %dma_wait3A_143] : memref<128x128xf32, #tpu.memory_space<vmem>> -> memref<32x128xf32, #tpu.memory_space<vmem>>
        %dma_wait3A_145 = arith.constant 99968 : i32
        %dma_wait3A_146 = arith.constant 0 : i32
        %dma_wait3A_147 = tpu.memref_slice %arg2[%dma_wait3A_145, %dma_wait3A_146] : memref<100000x128xf32, #tpu.memory_space<hbm>> -> memref<32x128xf32, #tpu.memory_space<hbm>>
        %dma_wait3A_148 = arith.constant 0 : i32
        %dma_wait3A_149 = arith.constant 0 : i32
        %dma_wait3A_150 = tpu.memref_slice %arg9[%dma_wait3A_148, %dma_wait3A_149] : memref<128x128xf32, #tpu.memory_space<vmem>> -> memref<32x128xf32, #tpu.memory_space<vmem>>
        %dma_wait3A_151 = arith.constant 99968 : i32
        %dma_wait3A_152 = arith.constant 0 : i32
        %dma_wait3A_153 = tpu.memref_slice %arg2[%dma_wait3A_151, %dma_wait3A_152] : memref<100000x128xf32, #tpu.memory_space<hbm>> -> memref<32x128xf32, #tpu.memory_space<hbm>>
        tpu.wait_dma2 semaphore(%run_scoped3A_129 : memref<!tpu.dma_semaphore, #tpu.memory_space<semaphore_mem>>) src(%dma_wait3A_153 : memref<32x128xf32, #tpu.memory_space<hbm>>) dst(%dma_wait3A_150 : memref<32x128xf32, #tpu.memory_space<vmem>>)
        tpu.yield
      }) : () -> ()
      %run_scoped3A = arith.constant 0 : i32
      "tpu.region"() ({
        %run_scoped3A_129 = tpu.sem_alloc : memref<!tpu.dma_semaphore, #tpu.memory_space<semaphore_mem>>
        %dma_start3A_130 = arith.constant 0 : i32
        %dma_start3A_131 = tpu.memref_slice %arg17[%run_scoped3A, %dma_start3A_130] : memref<1x32xi32, #tpu.memory_space<vmem>> -> memref<1x32xi32, #tpu.memory_space<vmem>>
        %dma_start3A_132 = tpu.memref_squeeze %dma_start3A_131 : memref<1x32xi32, #tpu.memory_space<vmem>> -> memref<32xi32, #tpu.memory_space<vmem>>
        %dma_start3A_133 = arith.constant 99968 : i32
        %dma_start3A_134 = tpu.memref_slice %arg3[%dma_start3A_133] : memref<100000xi32, #tpu.memory_space<hbm>> -> memref<32xi32, #tpu.memory_space<hbm>>
        %dma_start3A_135 = arith.constant 0 : i32
        %dma_start3A_136 = tpu.memref_slice %arg17[%run_scoped3A, %dma_start3A_135] : memref<1x32xi32, #tpu.memory_space<vmem>> -> memref<1x32xi32, #tpu.memory_space<vmem>>
        %dma_start3A_137 = tpu.memref_squeeze %dma_start3A_136 : memref<1x32xi32, #tpu.memory_space<vmem>> -> memref<32xi32, #tpu.memory_space<vmem>>
        %dma_start3A_138 = arith.constant 99968 : i32
        %dma_start3A_139 = tpu.memref_slice %arg3[%dma_start3A_138] : memref<100000xi32, #tpu.memory_space<hbm>> -> memref<32xi32, #tpu.memory_space<hbm>>
        tpu.enqueue_dma source(%dma_start3A_139 : memref<32xi32, #tpu.memory_space<hbm>>) target(%dma_start3A_137 : memref<32xi32, #tpu.memory_space<vmem>>) target_semaphore(%run_scoped3A_129 : memref<!tpu.dma_semaphore, #tpu.memory_space<semaphore_mem>>)
        %dma_wait3A_140 = arith.constant 0 : i32
        %dma_wait3A_141 = tpu.memref_slice %arg17[%run_scoped3A, %dma_wait3A_140] : memref<1x32xi32, #tpu.memory_space<vmem>> -> memref<1x32xi32, #tpu.memory_space<vmem>>
        %dma_wait3A_142 = tpu.memref_squeeze %dma_wait3A_141 : memref<1x32xi32, #tpu.memory_space<vmem>> -> memref<32xi32, #tpu.memory_space<vmem>>
        %dma_wait3A_143 = arith.constant 99968 : i32
        %dma_wait3A_144 = tpu.memref_slice %arg3[%dma_wait3A_143] : memref<100000xi32, #tpu.memory_space<hbm>> -> memref<32xi32, #tpu.memory_space<hbm>>
        %dma_wait3A_145 = arith.constant 0 : i32
        %dma_wait3A_146 = tpu.memref_slice %arg17[%run_scoped3A, %dma_wait3A_145] : memref<1x32xi32, #tpu.memory_space<vmem>> -> memref<1x32xi32, #tpu.memory_space<vmem>>
        %dma_wait3A_147 = tpu.memref_squeeze %dma_wait3A_146 : memref<1x32xi32, #tpu.memory_space<vmem>> -> memref<32xi32, #tpu.memory_space<vmem>>
        %dma_wait3A_148 = arith.constant 99968 : i32
        %dma_wait3A_149 = tpu.memref_slice %arg3[%dma_wait3A_148] : memref<100000xi32, #tpu.memory_space<hbm>> -> memref<32xi32, #tpu.memory_space<hbm>>
        tpu.wait_dma2 semaphore(%run_scoped3A_129 : memref<!tpu.dma_semaphore, #tpu.memory_space<semaphore_mem>>) src(%dma_wait3A_149 : memref<32xi32, #tpu.memory_space<hbm>>) dst(%dma_wait3A_147 : memref<32xi32, #tpu.memory_space<vmem>>)
        tpu.yield
      }) : () -> ()
      %run_scoped3A_112 = arith.constant 0 : i32
      "tpu.region"() ({
        %run_scoped3A_129 = tpu.sem_alloc : memref<!tpu.dma_semaphore, #tpu.memory_space<semaphore_mem>>
        %dma_start3A_130 = arith.constant 0 : i32
        %dma_start3A_131 = arith.constant 0 : i32
        %dma_start3A_132 = tpu.memref_slice %arg9[%dma_start3A_130, %dma_start3A_131] : memref<128x128xf32, #tpu.memory_space<vmem>> -> memref<32x128xf32, #tpu.memory_space<vmem>>
        %dma_start3A_133 = arith.constant 0 : i32
        %dma_start3A_134 = tpu.memref_slice %arg17[%run_scoped3A_112, %dma_start3A_133] : memref<1x32xi32, #tpu.memory_space<vmem>> -> memref<1x32xi32, #tpu.memory_space<vmem>>
        %dma_start3A_135 = tpu.memref_squeeze %dma_start3A_134 : memref<1x32xi32, #tpu.memory_space<vmem>> -> memref<32xi32, #tpu.memory_space<vmem>>
        %dma_start3A_136 = arith.constant 0 : i32
        %dma_start3A_137 = arith.constant 0 : i32
        %dma_start3A_138 = tpu.memref_slice %arg35[%dma_start3A_136, %dma_start3A_137] : memref<1024x128xf32, #tpu.memory_space<vmem_shared>> -> memref<1024x128xf32, #tpu.memory_space<vmem_shared>>
        tpu.enqueue_indirect_dma source(%dma_start3A_132 : memref<32x128xf32, #tpu.memory_space<vmem>>) target(%dma_start3A_138 : memref<1024x128xf32, #tpu.memory_space<vmem_shared>>) offsets(%dma_start3A_135 : memref<32xi32, #tpu.memory_space<vmem>>) semaphore(%run_scoped3A_129 : memref<!tpu.dma_semaphore, #tpu.memory_space<semaphore_mem>>) {add = true}
        %dma_wait3A_139 = arith.constant 0 : i32
        %dma_wait3A_140 = arith.constant 0 : i32
        %dma_wait3A_141 = tpu.memref_slice %arg9[%dma_wait3A_139, %dma_wait3A_140] : memref<128x128xf32, #tpu.memory_space<vmem>> -> memref<32x128xf32, #tpu.memory_space<vmem>>
        %dma_wait3A_142 = arith.constant 0 : i32
        %dma_wait3A_143 = tpu.memref_slice %arg17[%run_scoped3A_112, %dma_wait3A_142] : memref<1x32xi32, #tpu.memory_space<vmem>> -> memref<1x32xi32, #tpu.memory_space<vmem>>
        %dma_wait3A_144 = tpu.memref_squeeze %dma_wait3A_143 : memref<1x32xi32, #tpu.memory_space<vmem>> -> memref<32xi32, #tpu.memory_space<vmem>>
        %dma_wait3A_145 = arith.constant 0 : i32
        %dma_wait3A_146 = arith.constant 0 : i32
        %dma_wait3A_147 = tpu.memref_slice %arg35[%dma_wait3A_145, %dma_wait3A_146] : memref<1024x128xf32, #tpu.memory_space<vmem_shared>> -> memref<1024x128xf32, #tpu.memory_space<vmem_shared>>
        tpu.wait_indirect_dma semaphore(%run_scoped3A_129 : memref<!tpu.dma_semaphore, #tpu.memory_space<semaphore_mem>>) src(%dma_wait3A_141 : memref<32x128xf32, #tpu.memory_space<vmem>>) dst(%dma_wait3A_147 : memref<1024x128xf32, #tpu.memory_space<vmem_shared>>)
        tpu.yield
      }) : () -> ()
      %get3A_113 = arith.constant 0 : i32
      %get3A_114 = arith.index_cast %get3A_113 : i32 to index
      %get3A_115 = arith.constant 0 : index
      %get3A_116 = tpu.vector_load %arg17[%get3A_114, %get3A_115] {strides = array<i32>} : memref<1x32xi32, #tpu.memory_space<vmem>>, vector<16xi32>,
      %mul3A_117 = arith.constant 1024 : i32
      %mul3A_118 = vector.broadcast %mul3A_117 : i32 to vector<16xi32>
      %mul3A_119 = arith.muli %iota3A, %mul3A_118 : vector<16xi32>
      %add3A_120 = arith.addi %mul3A_119, %get3A_116 : vector<16xi32>
      tpu.vector_store_idx %arg18[%add3A_120], %broadcast_in_dim3A_3 {add = true} : memref<16384xf32, #tpu.memory_space<vmem>>[vector<16xi32>], vector<16xf32>,
      %get3A_121 = arith.constant 0 : i32
      %get3A_122 = arith.index_cast %get3A_121 : i32 to index
      %get3A_123 = arith.constant 16 : index
      %get3A_124 = tpu.vector_load %arg17[%get3A_122, %get3A_123] {strides = array<i32>} : memref<1x32xi32, #tpu.memory_space<vmem>>, vector<16xi32>,
      %mul3A_125 = arith.constant 1024 : i32
      %mul3A_126 = vector.broadcast %mul3A_125 : i32 to vector<16xi32>
      %mul3A_127 = arith.muli %iota3A, %mul3A_126 : vector<16xi32>
      %add3A_128 = arith.addi %mul3A_127, %get3A_124 : vector<16xi32>
      tpu.vector_store_idx %arg18[%add3A_128], %broadcast_in_dim3A_3 {add = true} : memref<16384xf32, #tpu.memory_space<vmem>>[vector<16xi32>], vector<16xf32>,
    } else {
    }
    %scan3A_80 = arith.constant 0 : i32
    %scan3A_81 = arith.constant 0 : i32
    %scan3A_82 = arith.constant 64 : i32
    %scan3A_83 = arith.addi %scan3A_81, %scan3A_82 : i32
    %scan3A_84 = arith.constant 1 : i32
    scf.for %scan3A_112 = %scan3A_81 to %scan3A_83 step %scan3A_84  : i32 {
      %mul3A_113 = arith.constant 16 : i32
      %mul3A_114 = arith.muli %scan3A_112, %mul3A_113 : i32
      %get3A_115 = arith.index_cast %mul3A_114 : i32 to index
      %get3A_116 = tpu.vector_load %arg18[%get3A_115] {strides = array<i32>} : memref<16384xf32, #tpu.memory_space<vmem>>, vector<16xf32>,
      %mul3A_117 = arith.constant 16 : i32
      %mul3A_118 = arith.muli %scan3A_112, %mul3A_117 : i32
      %add3A_119 = arith.constant 1024 : i32
      %add3A_120 = arith.addi %add3A_119, %mul3A_118 : i32
      %get3A_121 = arith.index_cast %add3A_120 : i32 to index
      %get3A_122 = tpu.vector_load %arg18[%get3A_121] {strides = array<i32>} : memref<16384xf32, #tpu.memory_space<vmem>>, vector<16xf32>,
      %add3A_123 = arith.addf %get3A_116, %get3A_122 : vector<16xf32>
      %mul3A_124 = arith.constant 16 : i32
      %mul3A_125 = arith.muli %scan3A_112, %mul3A_124 : i32
      %add3A_126 = arith.constant 2048 : i32
      %add3A_127 = arith.addi %add3A_126, %mul3A_125 : i32
      %get3A_128 = arith.index_cast %add3A_127 : i32 to index
      %get3A_129 = tpu.vector_load %arg18[%get3A_128] {strides = array<i32>} : memref<16384xf32, #tpu.memory_space<vmem>>, vector<16xf32>,
      %add3A_130 = arith.addf %add3A_123, %get3A_129 : vector<16xf32>
      %mul3A_131 = arith.constant 16 : i32
      %mul3A_132 = arith.muli %scan3A_112, %mul3A_131 : i32
      %add3A_133 = arith.constant 3072 : i32
      %add3A_134 = arith.addi %add3A_133, %mul3A_132 : i32
      %get3A_135 = arith.index_cast %add3A_134 : i32 to index
      %get3A_136 = tpu.vector_load %arg18[%get3A_135] {strides = array<i32>} : memref<16384xf32, #tpu.memory_space<vmem>>, vector<16xf32>,
      %add3A_137 = arith.addf %add3A_130, %get3A_136 : vector<16xf32>
      %mul3A_138 = arith.constant 16 : i32
      %mul3A_139 = arith.muli %scan3A_112, %mul3A_138 : i32
      %add3A_140 = arith.constant 4096 : i32
      %add3A_141 = arith.addi %add3A_140, %mul3A_139 : i32
      %get3A_142 = arith.index_cast %add3A_141 : i32 to index
      %get3A_143 = tpu.vector_load %arg18[%get3A_142] {strides = array<i32>} : memref<16384xf32, #tpu.memory_space<vmem>>, vector<16xf32>,
      %add3A_144 = arith.addf %add3A_137, %get3A_143 : vector<16xf32>
      %mul3A_145 = arith.constant 16 : i32
      %mul3A_146 = arith.muli %scan3A_112, %mul3A_145 : i32
      %add3A_147 = arith.constant 5120 : i32
      %add3A_148 = arith.addi %add3A_147, %mul3A_146 : i32
      %get3A_149 = arith.index_cast %add3A_148 : i32 to index
      %get3A_150 = tpu.vector_load %arg18[%get3A_149] {strides = array<i32>} : memref<16384xf32, #tpu.memory_space<vmem>>, vector<16xf32>,
      %add3A_151 = arith.addf %add3A_144, %get3A_150 : vector<16xf32>
      %mul3A_152 = arith.constant 16 : i32
      %mul3A_153 = arith.muli %scan3A_112, %mul3A_152 : i32
      %add3A_154 = arith.constant 6144 : i32
      %add3A_155 = arith.addi %add3A_154, %mul3A_153 : i32
      %get3A_156 = arith.index_cast %add3A_155 : i32 to index
      %get3A_157 = tpu.vector_load %arg18[%get3A_156] {strides = array<i32>} : memref<16384xf32, #tpu.memory_space<vmem>>, vector<16xf32>,
      %add3A_158 = arith.addf %add3A_151, %get3A_157 : vector<16xf32>
      %mul3A_159 = arith.constant 16 : i32
      %mul3A_160 = arith.muli %scan3A_112, %mul3A_159 : i32
      %add3A_161 = arith.constant 7168 : i32
      %add3A_162 = arith.addi %add3A_161, %mul3A_160 : i32
      %get3A_163 = arith.index_cast %add3A_162 : i32 to index
      %get3A_164 = tpu.vector_load %arg18[%get3A_163] {strides = array<i32>} : memref<16384xf32, #tpu.memory_space<vmem>>, vector<16xf32>,
      %add3A_165 = arith.addf %add3A_158, %get3A_164 : vector<16xf32>
      %mul3A_166 = arith.constant 16 : i32
      %mul3A_167 = arith.muli %scan3A_112, %mul3A_166 : i32
      %add3A_168 = arith.constant 8192 : i32
      %add3A_169 = arith.addi %add3A_168, %mul3A_167 : i32
      %get3A_170 = arith.index_cast %add3A_169 : i32 to index
      %get3A_171 = tpu.vector_load %arg18[%get3A_170] {strides = array<i32>} : memref<16384xf32, #tpu.memory_space<vmem>>, vector<16xf32>,
      %add3A_172 = arith.addf %add3A_165, %get3A_171 : vector<16xf32>
      %mul3A_173 = arith.constant 16 : i32
      %mul3A_174 = arith.muli %scan3A_112, %mul3A_173 : i32
      %add3A_175 = arith.constant 9216 : i32
      %add3A_176 = arith.addi %add3A_175, %mul3A_174 : i32
      %get3A_177 = arith.index_cast %add3A_176 : i32 to index
      %get3A_178 = tpu.vector_load %arg18[%get3A_177] {strides = array<i32>} : memref<16384xf32, #tpu.memory_space<vmem>>, vector<16xf32>,
      %add3A_179 = arith.addf %add3A_172, %get3A_178 : vector<16xf32>
      %mul3A_180 = arith.constant 16 : i32
      %mul3A_181 = arith.muli %scan3A_112, %mul3A_180 : i32
      %add3A_182 = arith.constant 10240 : i32
      %add3A_183 = arith.addi %add3A_182, %mul3A_181 : i32
      %get3A_184 = arith.index_cast %add3A_183 : i32 to index
      %get3A_185 = tpu.vector_load %arg18[%get3A_184] {strides = array<i32>} : memref<16384xf32, #tpu.memory_space<vmem>>, vector<16xf32>,
      %add3A_186 = arith.addf %add3A_179, %get3A_185 : vector<16xf32>
      %mul3A_187 = arith.constant 16 : i32
      %mul3A_188 = arith.muli %scan3A_112, %mul3A_187 : i32
      %add3A_189 = arith.constant 11264 : i32
      %add3A_190 = arith.addi %add3A_189, %mul3A_188 : i32
      %get3A_191 = arith.index_cast %add3A_190 : i32 to index
      %get3A_192 = tpu.vector_load %arg18[%get3A_191] {strides = array<i32>} : memref<16384xf32, #tpu.memory_space<vmem>>, vector<16xf32>,
      %add3A_193 = arith.addf %add3A_186, %get3A_192 : vector<16xf32>
      %mul3A_194 = arith.constant 16 : i32
      %mul3A_195 = arith.muli %scan3A_112, %mul3A_194 : i32
      %add3A_196 = arith.constant 12288 : i32
      %add3A_197 = arith.addi %add3A_196, %mul3A_195 : i32
      %get3A_198 = arith.index_cast %add3A_197 : i32 to index
      %get3A_199 = tpu.vector_load %arg18[%get3A_198] {strides = array<i32>} : memref<16384xf32, #tpu.memory_space<vmem>>, vector<16xf32>,
      %add3A_200 = arith.addf %add3A_193, %get3A_199 : vector<16xf32>
      %mul3A_201 = arith.constant 16 : i32
      %mul3A_202 = arith.muli %scan3A_112, %mul3A_201 : i32
      %add3A_203 = arith.constant 13312 : i32
      %add3A_204 = arith.addi %add3A_203, %mul3A_202 : i32
      %get3A_205 = arith.index_cast %add3A_204 : i32 to index
      %get3A_206 = tpu.vector_load %arg18[%get3A_205] {strides = array<i32>} : memref<16384xf32, #tpu.memory_space<vmem>>, vector<16xf32>,
      %add3A_207 = arith.addf %add3A_200, %get3A_206 : vector<16xf32>
      %mul3A_208 = arith.constant 16 : i32
      %mul3A_209 = arith.muli %scan3A_112, %mul3A_208 : i32
      %add3A_210 = arith.constant 14336 : i32
      %add3A_211 = arith.addi %add3A_210, %mul3A_209 : i32
      %get3A_212 = arith.index_cast %add3A_211 : i32 to index
      %get3A_213 = tpu.vector_load %arg18[%get3A_212] {strides = array<i32>} : memref<16384xf32, #tpu.memory_space<vmem>>, vector<16xf32>,
      %add3A_214 = arith.addf %add3A_207, %get3A_213 : vector<16xf32>
      %mul3A_215 = arith.constant 16 : i32
      %mul3A_216 = arith.muli %scan3A_112, %mul3A_215 : i32
      %add3A_217 = arith.constant 15360 : i32
      %add3A_218 = arith.addi %add3A_217, %mul3A_216 : i32
      %get3A_219 = arith.index_cast %add3A_218 : i32 to index
      %get3A_220 = tpu.vector_load %arg18[%get3A_219] {strides = array<i32>} : memref<16384xf32, #tpu.memory_space<vmem>>, vector<16xf32>,
      %add3A_221 = arith.addf %add3A_214, %get3A_220 : vector<16xf32>
      %mul3A_222 = arith.constant 16 : i32
      %mul3A_223 = arith.muli %scan3A_112, %mul3A_222 : i32
      %swap3A_224 = arith.index_cast %mul3A_223 : i32 to index
      %swap3A_225 = tpu.vector_load %arg18[%swap3A_224] {strides = array<i32>} : memref<16384xf32, #tpu.memory_space<vmem>>, vector<16xf32>,
      tpu.vector_store %arg18[%swap3A_224], %add3A_221 {strides = array<i32>} : memref<16384xf32, #tpu.memory_space<vmem>>, vector<16xf32>,
    }
    %scan3A_85 = arith.constant 64 : i32
    %dma_wait3A = arith.constant 0 : i32
    %dma_wait3A_86 = arith.constant 0 : i32
    %dma_wait3A_87 = tpu.memref_slice %arg15[%dma_wait3A, %dma_wait3A_86] : memref<1x128xi32, #tpu.memory_space<vmem>> -> memref<1x128xi32, #tpu.memory_space<vmem>>
    %dma_wait3A_88 = tpu.memref_squeeze %dma_wait3A_87 : memref<1x128xi32, #tpu.memory_space<vmem>> -> memref<128xi32, #tpu.memory_space<vmem>>
    %dma_wait3A_89 = arith.constant 0 : i32
    %dma_wait3A_90 = arith.constant 0 : i32
    %dma_wait3A_91 = tpu.memref_slice %arg35[%dma_wait3A_89, %dma_wait3A_90] : memref<1024x128xf32, #tpu.memory_space<vmem_shared>> -> memref<1024x128xf32, #tpu.memory_space<vmem_shared>>
    tpu.wait_indirect_dma semaphore(%arg33 : memref<!tpu.dma_semaphore, #tpu.memory_space<semaphore_mem>>) src(%arg11 : memref<128x128xf32, #tpu.memory_space<vmem>>) dst(%dma_wait3A_91 : memref<1024x128xf32, #tpu.memory_space<vmem_shared>>)
    %dma_wait3A_92 = arith.constant 0 : i32
    %dma_wait3A_93 = arith.constant 0 : i32
    %dma_wait3A_94 = tpu.memref_slice %arg16[%dma_wait3A_92, %dma_wait3A_93] : memref<1x128xi32, #tpu.memory_space<vmem>> -> memref<1x128xi32, #tpu.memory_space<vmem>>
    %dma_wait3A_95 = tpu.memref_squeeze %dma_wait3A_94 : memref<1x128xi32, #tpu.memory_space<vmem>> -> memref<128xi32, #tpu.memory_space<vmem>>
    %dma_wait3A_96 = arith.constant 0 : i32
    %dma_wait3A_97 = arith.constant 0 : i32
    %dma_wait3A_98 = tpu.memref_slice %arg35[%dma_wait3A_96, %dma_wait3A_97] : memref<1024x128xf32, #tpu.memory_space<vmem_shared>> -> memref<1024x128xf32, #tpu.memory_space<vmem_shared>>
    tpu.wait_indirect_dma semaphore(%arg34 : memref<!tpu.dma_semaphore, #tpu.memory_space<semaphore_mem>>) src(%arg12 : memref<128x128xf32, #tpu.memory_space<vmem>>) dst(%dma_wait3A_98 : memref<1024x128xf32, #tpu.memory_space<vmem_shared>>)
    %lt3A_99 = arith.constant 13 : i32
    %lt3A_100 = arith.cmpi slt, %add3A, %lt3A_99 : i32
    %convert_element_type3A_101 = arith.extui %lt3A_100 : i1 to i32
    %cond3A_102 = arith.constant 0 : i32
    %cond3A_103 = arith.cmpi ne, %convert_element_type3A_101, %cond3A_102 : i32
    scf.if %cond3A_103 {
      %dma_wait3A_112 = arith.constant 0 : i32
      %dma_wait3A_113 = arith.constant 0 : i32
      %dma_wait3A_114 = tpu.memref_slice %arg13[%dma_wait3A_112, %dma_wait3A_113] : memref<1x128xi32, #tpu.memory_space<vmem>> -> memref<1x128xi32, #tpu.memory_space<vmem>>
      %dma_wait3A_115 = tpu.memref_squeeze %dma_wait3A_114 : memref<1x128xi32, #tpu.memory_space<vmem>> -> memref<128xi32, #tpu.memory_space<vmem>>
      %dma_wait3A_116 = arith.constant 0 : i32
      %dma_wait3A_117 = arith.constant 0 : i32
      %dma_wait3A_118 = tpu.memref_slice %arg35[%dma_wait3A_116, %dma_wait3A_117] : memref<1024x128xf32, #tpu.memory_space<vmem_shared>> -> memref<1024x128xf32, #tpu.memory_space<vmem_shared>>
      tpu.wait_indirect_dma semaphore(%arg31 : memref<!tpu.dma_semaphore, #tpu.memory_space<semaphore_mem>>) src(%arg9 : memref<128x128xf32, #tpu.memory_space<vmem>>) dst(%dma_wait3A_118 : memref<1024x128xf32, #tpu.memory_space<vmem_shared>>)
    } else {
    }
    "tpu.region"() ({
      %run_scoped3A = tpu.sem_alloc : memref<!tpu.dma_semaphore, #tpu.memory_space<semaphore_mem>>
      %dma_start3A_112 = arith.constant 0 : i32
      %dma_start3A_113 = tpu.memref_slice %arg18[%dma_start3A_112] : memref<16384xf32, #tpu.memory_space<vmem>> -> memref<1024xf32, #tpu.memory_space<vmem>>
      %dma_start3A_114 = arith.constant 0 : i32
      %dma_start3A_115 = tpu.memref_slice %arg7[%add3A, %dma_start3A_114] : memref<32x1024xf32, #tpu.memory_space<hbm>> -> memref<1x1024xf32, #tpu.memory_space<hbm>>
      %dma_start3A_116 = tpu.memref_squeeze %dma_start3A_115 : memref<1x1024xf32, #tpu.memory_space<hbm>> -> memref<1024xf32, #tpu.memory_space<hbm>>
      %dma_start3A_117 = arith.constant 0 : i32
      %dma_start3A_118 = tpu.memref_slice %arg7[%add3A, %dma_start3A_117] : memref<32x1024xf32, #tpu.memory_space<hbm>> -> memref<1x1024xf32, #tpu.memory_space<hbm>>
      %dma_start3A_119 = tpu.memref_squeeze %dma_start3A_118 : memref<1x1024xf32, #tpu.memory_space<hbm>> -> memref<1024xf32, #tpu.memory_space<hbm>>
      %dma_start3A_120 = arith.constant 0 : i32
      %dma_start3A_121 = tpu.memref_slice %arg18[%dma_start3A_120] : memref<16384xf32, #tpu.memory_space<vmem>> -> memref<1024xf32, #tpu.memory_space<vmem>>
      tpu.enqueue_dma source(%dma_start3A_121 : memref<1024xf32, #tpu.memory_space<vmem>>) target(%dma_start3A_119 : memref<1024xf32, #tpu.memory_space<hbm>>) target_semaphore(%run_scoped3A : memref<!tpu.dma_semaphore, #tpu.memory_space<semaphore_mem>>)
      %dma_wait3A_122 = arith.constant 0 : i32
      %dma_wait3A_123 = tpu.memref_slice %arg18[%dma_wait3A_122] : memref<16384xf32, #tpu.memory_space<vmem>> -> memref<1024xf32, #tpu.memory_space<vmem>>
      %dma_wait3A_124 = arith.constant 0 : i32
      %dma_wait3A_125 = tpu.memref_slice %arg7[%add3A, %dma_wait3A_124] : memref<32x1024xf32, #tpu.memory_space<hbm>> -> memref<1x1024xf32, #tpu.memory_space<hbm>>
      %dma_wait3A_126 = tpu.memref_squeeze %dma_wait3A_125 : memref<1x1024xf32, #tpu.memory_space<hbm>> -> memref<1024xf32, #tpu.memory_space<hbm>>
      %dma_wait3A_127 = arith.constant 0 : i32
      %dma_wait3A_128 = tpu.memref_slice %arg7[%add3A, %dma_wait3A_127] : memref<32x1024xf32, #tpu.memory_space<hbm>> -> memref<1x1024xf32, #tpu.memory_space<hbm>>
      %dma_wait3A_129 = tpu.memref_squeeze %dma_wait3A_128 : memref<1x1024xf32, #tpu.memory_space<hbm>> -> memref<1024xf32, #tpu.memory_space<hbm>>
      %dma_wait3A_130 = arith.constant 0 : i32
      %dma_wait3A_131 = tpu.memref_slice %arg18[%dma_wait3A_130] : memref<16384xf32, #tpu.memory_space<vmem>> -> memref<1024xf32, #tpu.memory_space<vmem>>
      tpu.wait_dma2 semaphore(%run_scoped3A : memref<!tpu.dma_semaphore, #tpu.memory_space<semaphore_mem>>) src(%dma_wait3A_131 : memref<1024xf32, #tpu.memory_space<vmem>>) dst(%dma_wait3A_129 : memref<1024xf32, #tpu.memory_space<hbm>>)
      tpu.yield
    }) : () -> ()
    %barrier3A_104 = arith.constant 0 : index
    tpu.barrier barrier_id(%barrier3A_104)
    %mul3A_105 = arith.constant 64 : i32
    %mul3A_106 = arith.muli %arg1, %mul3A_105 : i32
    %mul3A_107 = arith.constant 1024 : i32
    %mul3A_108 = arith.muli %arg0, %mul3A_107 : i32
    %mul3A_109 = arith.constant 64 : i32
    %mul3A_110 = arith.muli %arg1, %mul3A_109 : i32
    %add3A_111 = arith.addi %mul3A_108, %mul3A_110 : i32
    "tpu.region"() ({
      %run_scoped3A = tpu.sem_alloc : memref<!tpu.dma_semaphore, #tpu.memory_space<semaphore_mem>>
      %dma_start3A_112 = arith.constant 0 : i32
      %dma_start3A_113 = tpu.memref_slice %arg6[%add3A_111, %dma_start3A_112] : memref<2048x128xf32, #tpu.memory_space<hbm>> -> memref<64x128xf32, #tpu.memory_space<hbm>>
      %dma_start3A_114 = arith.constant 0 : i32
      %dma_start3A_115 = tpu.memref_slice %arg35[%mul3A_106, %dma_start3A_114] : memref<1024x128xf32, #tpu.memory_space<vmem_shared>> -> memref<64x128xf32, #tpu.memory_space<vmem_shared>>
      tpu.enqueue_dma source(%dma_start3A_115 : memref<64x128xf32, #tpu.memory_space<vmem_shared>>) target(%dma_start3A_113 : memref<64x128xf32, #tpu.memory_space<hbm>>) target_semaphore(%run_scoped3A : memref<!tpu.dma_semaphore, #tpu.memory_space<semaphore_mem>>)
      %dma_wait3A_116 = arith.constant 0 : i32
      %dma_wait3A_117 = tpu.memref_slice %arg6[%add3A_111, %dma_wait3A_116] : memref<2048x128xf32, #tpu.memory_space<hbm>> -> memref<64x128xf32, #tpu.memory_space<hbm>>
      %dma_wait3A_118 = arith.constant 0 : i32
      %dma_wait3A_119 = tpu.memref_slice %arg35[%mul3A_106, %dma_wait3A_118] : memref<1024x128xf32, #tpu.memory_space<vmem_shared>> -> memref<64x128xf32, #tpu.memory_space<vmem_shared>>
      tpu.wait_dma2 semaphore(%run_scoped3A : memref<!tpu.dma_semaphore, #tpu.memory_space<semaphore_mem>>) src(%dma_wait3A_119 : memref<64x128xf32, #tpu.memory_space<vmem_shared>>) dst(%dma_wait3A_117 : memref<64x128xf32, #tpu.memory_space<hbm>>)
      tpu.yield
    }) : () -> ()
    return
  }
}

module attributes {stable_mosaic.version = 14 : i64} {
  func.func @_tc_body(%arg0: memref<2048x128xf32, #tpu.memory_space<vmem>>, %arg1: memref<32x1024xf32, #tpu.memory_space<vmem>>, %arg2: memref<1024x128xf32, #tpu.memory_space<vmem>>, %arg3: memref<1024x128xf32, #tpu.memory_space<vmem>>, %arg4: memref<1x1024xi32, #tpu.memory_space<vmem>>, %arg5: memref<1x1xi32, #tpu.memory_space<smem>>, %arg6: memref<1x1xf32, #tpu.memory_space<smem>>) attributes {dimension_semantics = [], scalar_prefetch = 0 : i64, scratch_operands = 0 : i64, tpu.core_type = #tpu.core_type<tc>} {
    %get3A = arith.constant 0 : index
    %get3A_0 = arith.constant 0 : index
    %get3A_1 = vector.load %arg0[%get3A, %get3A_0] : memref<2048x128xf32, #tpu.memory_space<vmem>>, vector<2048x128xf32>
    %slice3A = vector.extract_strided_slice %get3A_1 {offsets = [0, 0], sizes = [1024, 128], strides = [1, 1]} : vector<2048x128xf32> to vector<1024x128xf32>
    %slice3A_2 = vector.extract_strided_slice %get3A_1 {offsets = [1024, 0], sizes = [1024, 128], strides = [1, 1]} : vector<2048x128xf32> to vector<1024x128xf32>
    %add3A = arith.addf %slice3A, %slice3A_2 : vector<1024x128xf32>
    %get3A_3 = arith.constant 0 : index
    %get3A_4 = arith.constant 0 : index
    %get3A_5 = vector.load %arg1[%get3A_3, %get3A_4] : memref<32x1024xf32, #tpu.memory_space<vmem>>, vector<32x1024xf32>
    %reduce_sum3A = arith.constant dense<0.000000e+00> : vector<1024xf32>
    %reduce_sum3A_6 = vector.multi_reduction <add>, %get3A_5, %reduce_sum3A [0] : vector<32x1024xf32> to vector<1024xf32>
    %broadcast_in_dim3A = vector.shape_cast %reduce_sum3A_6 : vector<1024xf32> to vector<1x1024xf32>
    %iota3A = tpu.iota {dimensions = array<i32: 1>} : vector<1x1024xi32>
    %gt3A = arith.constant 0.000000e+00 : f32
    %gt3A_7 = vector.broadcast %gt3A : f32 to vector<1x1024xf32>
    %gt3A_8 = arith.cmpf ogt, %broadcast_in_dim3A, %gt3A_7 : vector<1x1024xf32>
    %lt3A = arith.constant 1000 : i32
    %lt3A_9 = vector.broadcast %lt3A : i32 to vector<1x1024xi32>
    %lt3A_10 = arith.cmpi slt, %iota3A, %lt3A_9 : vector<1x1024xi32>
    %and3A = arith.andi %gt3A_8, %lt3A_10 : vector<1x1024xi1>
    %convert_element_type3A = arith.extui %and3A : vector<1x1024xi1> to vector<1x1024xi32>
    %convert_element_type3A_11 = arith.sitofp %convert_element_type3A : vector<1x1024xi32> to vector<1x1024xf32>
    %mul3A = arith.mulf %convert_element_type3A_11, %broadcast_in_dim3A : vector<1x1024xf32>
    %sub3A = arith.constant 1.000000e+00 : f32
    %sub3A_12 = vector.broadcast %sub3A : f32 to vector<1x1024xf32>
    %sub3A_13 = arith.subf %sub3A_12, %convert_element_type3A_11 : vector<1x1024xf32>
    %add3A_14 = arith.addf %mul3A, %sub3A_13 : vector<1x1024xf32>
    %get3A_15 = arith.constant 0 : index
    %get3A_16 = arith.constant 0 : index
    %get3A_17 = vector.load %arg2[%get3A_15, %get3A_16] : memref<1024x128xf32, #tpu.memory_space<vmem>>, vector<1024x128xf32>
    %dot_general3A = arith.constant dense<0.000000e+00> : vector<1024x1024xf32>
    %dot_general3A_18 = tpu.matmul %get3A_17, %add3A, %dot_general3A {dimension_numbers = #tpu.dot_dimension_numbers<[1], [1], [0], [0], [0, 0, 1, 0], [], []>, transpose_lhs_hint = false} : vector<1024x128xf32>, vector<1024x128xf32>, vector<1024x1024xf32> -> vector<1024x1024xf32>
    %mul3A_19 = arith.constant 2.000000e+01 : f32
    %mul3A_20 = vector.broadcast %mul3A_19 : f32 to vector<1024x1024xf32>
    %mul3A_21 = arith.mulf %dot_general3A_18, %mul3A_20 : vector<1024x1024xf32>
    %div3A = vector.broadcast %add3A_14 : vector<1x1024xf32> to vector<1024x1024xf32>
    %div3A_22 = arith.divf %mul3A_21, %div3A : vector<1024x1024xf32>
    %exp3A = math.exp %div3A_22 : vector<1024x1024xf32>
    %mul3A_23 = vector.broadcast %convert_element_type3A_11 : vector<1x1024xf32> to vector<1024x1024xf32>
    %mul3A_24 = arith.mulf %exp3A, %mul3A_23 : vector<1024x1024xf32>
    %reduce_sum3A_25 = arith.constant dense<0.000000e+00> : vector<1024xf32>
    %reduce_sum3A_26 = vector.multi_reduction <add>, %mul3A_24, %reduce_sum3A_25 [1] : vector<1024x1024xf32> to vector<1024xf32>
    %broadcast_in_dim3A_27 = vector.shape_cast %reduce_sum3A_26 : vector<1024xf32> to vector<1024x1xf32>
    %add3A_28 = arith.constant 9.99999997E-7 : f32
    %add3A_29 = vector.broadcast %add3A_28 : f32 to vector<1024x1xf32>
    %add3A_30 = arith.addf %broadcast_in_dim3A_27, %add3A_29 : vector<1024x1xf32>
    %get3A_31 = arith.constant 0 : index
    %get3A_32 = arith.constant 0 : index
    %get3A_33 = vector.load %arg4[%get3A_31, %get3A_32] : memref<1x1024xi32, #tpu.memory_space<vmem>>, vector<1x1024xi32>
    %reshape3A = vector.shape_cast %get3A_33 : vector<1x1024xi32> to vector<1024x1xi32>
    %iota3A_34 = tpu.iota {dimensions = array<i32: 1>} : vector<1024x1024xi32>
    %eq3A = vector.broadcast %reshape3A : vector<1024x1xi32> to vector<1024x1024xi32>
    %eq3A_35 = arith.cmpi eq, %iota3A_34, %eq3A : vector<1024x1024xi32>
    %convert_element_type3A_36 = arith.extui %eq3A_35 : vector<1024x1024xi1> to vector<1024x1024xi32>
    %convert_element_type3A_37 = arith.sitofp %convert_element_type3A_36 : vector<1024x1024xi32> to vector<1024x1024xf32>
    %mul3A_38 = arith.mulf %convert_element_type3A_37, %mul3A_24 : vector<1024x1024xf32>
    %reduce_sum3A_39 = arith.constant dense<0.000000e+00> : vector<1024xf32>
    %reduce_sum3A_40 = vector.multi_reduction <add>, %mul3A_38, %reduce_sum3A_39 [1] : vector<1024x1024xf32> to vector<1024xf32>
    %broadcast_in_dim3A_41 = vector.shape_cast %reduce_sum3A_40 : vector<1024xf32> to vector<1024x1xf32>
    %div3A_42 = arith.divf %broadcast_in_dim3A_41, %add3A_30 : vector<1024x1xf32>
    %sub3A_43 = arith.constant 1.000000e+00 : f32
    %sub3A_44 = vector.broadcast %sub3A_43 : f32 to vector<1024x1xf32>
    %sub3A_45 = arith.subf %sub3A_44, %div3A_42 : vector<1024x1xf32>
    %integer_pow3A = arith.mulf %sub3A_45, %sub3A_45 : vector<1024x1xf32>
    %integer_pow3A_46 = arith.mulf %integer_pow3A, %integer_pow3A : vector<1024x1xf32>
    %neg3A = arith.constant 0.000000e+00 : f32
    %neg3A_47 = vector.broadcast %neg3A : f32 to vector<1024x1xf32>
    %neg3A_48 = arith.subf %neg3A_47, %integer_pow3A_46 : vector<1024x1xf32>
    %add3A_49 = arith.constant 9.99999997E-7 : f32
    %add3A_50 = vector.broadcast %add3A_49 : f32 to vector<1024x1xf32>
    %add3A_51 = arith.addf %div3A_42, %add3A_50 : vector<1024x1xf32>
    %log3A = math.log %add3A_51 : vector<1024x1xf32>
    %mul3A_52 = arith.mulf %neg3A_48, %log3A : vector<1024x1xf32>
    %reduce_sum3A_53 = vector.shape_cast %mul3A_52 : vector<1024x1xf32> to vector<1x1024x1xf32>
    %reduce_sum3A_54 = arith.constant dense<0.000000e+00> : vector<1xf32>
    %reduce_sum3A_55 = vector.multi_reduction <add>, %reduce_sum3A_53, %reduce_sum3A_54 [1, 2] : vector<1x1024x1xf32> to vector<1xf32>
    %reduce_sum3A_56 = vector.shape_cast %reduce_sum3A_55 : vector<1xf32> to vector<1x1x1xf32>
    %reduce_sum3A_57 = vector.extract %reduce_sum3A_56[0, 0, 0] : f32 from vector<1x1x1xf32>
    %div3A_58 = arith.constant 1.024000e+03 : f32
    %div3A_59 = arith.divf %reduce_sum3A_57, %div3A_58 : f32
    %div3A_60 = vector.broadcast %add3A_14 : vector<1x1024xf32> to vector<1024x1024xf32>
    %div3A_61 = arith.divf %convert_element_type3A_37, %div3A_60 : vector<1024x1024xf32>
    %dot_general3A_62 = arith.constant dense<0.000000e+00> : vector<1024x128xf32>
    %dot_general3A_63 = tpu.matmul %div3A_61, %add3A, %dot_general3A_62 {dimension_numbers = #tpu.dot_dimension_numbers<[1], [0], [0], [1], [0, 0, 1, 1], [], []>, transpose_lhs_hint = false} : vector<1024x1024xf32>, vector<1024x128xf32>, vector<1024x128xf32> -> vector<1024x128xf32>
    %get3A_64 = arith.constant 0 : index
    %get3A_65 = arith.constant 0 : index
    %get3A_66 = vector.load %arg3[%get3A_64, %get3A_65] : memref<1024x128xf32, #tpu.memory_space<vmem>>, vector<1024x128xf32>
    %mul3A_67 = arith.mulf %dot_general3A_63, %dot_general3A_63 : vector<1024x128xf32>
    %reduce_sum3A_68 = arith.constant dense<0.000000e+00> : vector<1024xf32>
    %reduce_sum3A_69 = vector.multi_reduction <add>, %mul3A_67, %reduce_sum3A_68 [1] : vector<1024x128xf32> to vector<1024xf32>
    %broadcast_in_dim3A_70 = vector.shape_cast %reduce_sum3A_69 : vector<1024xf32> to vector<1024x1xf32>
    %sqrt3A = math.sqrt %broadcast_in_dim3A_70 : vector<1024x1xf32>
    %div3A_71 = vector.broadcast %sqrt3A : vector<1024x1xf32> to vector<1024x128xf32>
    %div3A_72 = arith.divf %dot_general3A_63, %div3A_71 : vector<1024x128xf32>
    %mul3A_73 = arith.mulf %get3A_66, %get3A_66 : vector<1024x128xf32>
    %reduce_sum3A_74 = arith.constant dense<0.000000e+00> : vector<1024xf32>
    %reduce_sum3A_75 = vector.multi_reduction <add>, %mul3A_73, %reduce_sum3A_74 [1] : vector<1024x128xf32> to vector<1024xf32>
    %broadcast_in_dim3A_76 = vector.shape_cast %reduce_sum3A_75 : vector<1024xf32> to vector<1024x1xf32>
    %sqrt3A_77 = math.sqrt %broadcast_in_dim3A_76 : vector<1024x1xf32>
    %div3A_78 = vector.broadcast %sqrt3A_77 : vector<1024x1xf32> to vector<1024x128xf32>
    %div3A_79 = arith.divf %get3A_66, %div3A_78 : vector<1024x128xf32>
    %mul3A_80 = arith.mulf %div3A_72, %div3A_79 : vector<1024x128xf32>
    %reduce_sum3A_81 = vector.shape_cast %mul3A_80 : vector<1024x128xf32> to vector<1x1024x128xf32>
    %reduce_sum3A_82 = arith.constant dense<0.000000e+00> : vector<1xf32>
    %reduce_sum3A_83 = vector.multi_reduction <add>, %reduce_sum3A_81, %reduce_sum3A_82 [1, 2] : vector<1x1024x128xf32> to vector<1xf32>
    %reduce_sum3A_84 = vector.shape_cast %reduce_sum3A_83 : vector<1xf32> to vector<1x1x1xf32>
    %reduce_sum3A_85 = vector.extract %reduce_sum3A_84[0, 0, 0] : f32 from vector<1x1x1xf32>
    %neg3A_86 = arith.constant 0.000000e+00 : f32
    %neg3A_87 = arith.subf %neg3A_86, %reduce_sum3A_85 : f32
    %div3A_88 = arith.constant 1.024000e+03 : f32
    %div3A_89 = arith.divf %neg3A_87, %div3A_88 : f32
    %mul3A_90 = arith.mulf %get3A_17, %get3A_17 : vector<1024x128xf32>
    %reduce_sum3A_91 = arith.constant dense<0.000000e+00> : vector<1024xf32>
    %reduce_sum3A_92 = vector.multi_reduction <add>, %mul3A_90, %reduce_sum3A_91 [1] : vector<1024x128xf32> to vector<1024xf32>
    %broadcast_in_dim3A_93 = vector.shape_cast %reduce_sum3A_92 : vector<1024xf32> to vector<1024x1xf32>
    %sqrt3A_94 = math.sqrt %broadcast_in_dim3A_93 : vector<1024x1xf32>
    %div3A_95 = vector.broadcast %sqrt3A_94 : vector<1024x1xf32> to vector<1024x128xf32>
    %div3A_96 = arith.divf %get3A_17, %div3A_95 : vector<1024x128xf32>
    %mul3A_97 = arith.mulf %div3A_96, %div3A_79 : vector<1024x128xf32>
    %reduce_sum3A_98 = vector.shape_cast %mul3A_97 : vector<1024x128xf32> to vector<1x1024x128xf32>
    %reduce_sum3A_99 = arith.constant dense<0.000000e+00> : vector<1xf32>
    %reduce_sum3A_100 = vector.multi_reduction <add>, %reduce_sum3A_98, %reduce_sum3A_99 [1, 2] : vector<1x1024x128xf32> to vector<1xf32>
    %reduce_sum3A_101 = vector.shape_cast %reduce_sum3A_100 : vector<1xf32> to vector<1x1x1xf32>
    %reduce_sum3A_102 = vector.extract %reduce_sum3A_101[0, 0, 0] : f32 from vector<1x1x1xf32>
    %neg3A_103 = arith.constant 0.000000e+00 : f32
    %neg3A_104 = arith.subf %neg3A_103, %reduce_sum3A_102 : f32
    %div3A_105 = arith.constant 1.024000e+03 : f32
    %div3A_106 = arith.divf %neg3A_104, %div3A_105 : f32
    %get3A_107 = arith.constant 0 : index
    %get3A_108 = arith.constant 0 : index
    %get3A_109 = memref.load %arg5[%get3A_107, %get3A_108] : memref<1x1xi32, #tpu.memory_space<smem>>
    %eq3A_110 = arith.constant 0 : i32
    %eq3A_111 = arith.cmpi eq, %get3A_109, %eq3A_110 : i32
    %add3A_112 = arith.addf %div3A_89, %div3A_106 : f32
    %jit3A = arith.constant 0.000000e+00 : f32
    %select_n3A = arith.select %eq3A_111, %jit3A, %add3A_112 : f32
    %add3A_113 = arith.addf %div3A_59, %select_n3A : f32
    %swap3A = arith.constant 0 : index
    %swap3A_114 = arith.constant 0 : index
    %swap3A_115 = memref.load %arg6[%swap3A, %swap3A_114] : memref<1x1xf32, #tpu.memory_space<smem>>
    memref.store %add3A_113, %arg6[%swap3A, %swap3A_114] : memref<1x1xf32, #tpu.memory_space<smem>>
    return
  }
}

</mosaic_0001>

<sc_bundles>
// kernel: kernel.4.cloned.1.call-start
scs
__scs_entry_jumppad:
0x0: {  	(pc) =	sbr.rel $0x88, $3  }
0x1: {  	(tag) =	ssettag $0x0;
	lr =	simm.s32 $0x1  }
0x2: {  	[smem:$0x3F9B] =	sst lr;
	_ =	strace $0xD0000000  }
0x3: {  	_ = 	snop  }
0x4: {  	_ = 	snop  }
0x5: {  	_ = 	snop  }
0x6: {  	_ = 	snop  }
0x7: {  	_ = 	snop  }
__scs_overlays_trampoline_lowered:
0x8: {  	[smem:$0x3FAA] =	sst s0  }
0x9: {  	[smem:$0x3FAB] =	sst s1  }
0xa: {  	[smem:$0x3FAC] =	sst s2  }
0xb: {  	[smem:$0x3FAD] =	sst s3  }
0xc: {  	[smem:$0x3FAE] =	sst s4  }
0xd: {  	[smem:$0x3FAF] =	sst s5  }
0xe: {  	[smem:$0x3FB0] =	sst s6  }
0xf: {  	[smem:$0x3FB1] =	sst s7  }
0x10: {  	[smem:$0x3FB2] =	sst s8  }
0x11: {  	[smem:$0x3FB3] =	sst s9;
	s0 =	simm.s32 @!p0 $0x0  }
0x12: {  	s1 =	sld [smem:$0x3F99];
	s0 =	simm.s32 @p0 $0x1  }
0x13: {  	[smem:$0x3FB4] =	sst s0;
	s0 =	simm.s32 @!p1 $0x0  }
0x14: {  	s2 =	sld [smem:$0x3F98];
	s0 =	simm.s32 @p1 $0x1  }
0x15: {  	[smem:$0x3FB5] =	sst s0;
	s0 =	simm.s32 @!p2 $0x0  }
0x16: {  	s3 =	sld [smem:$0x3FDB];
	s0 =	simm.s32 @p2 $0x1  }
0x17: {  	s4 =	simm.s32 $0x1BF5;
	[smem:$0x3FB7] =	sst s0  }
0x18: {  	s0 =	sld [smem:$0x3F9A];
	_ =	swait.ge [sflag:s4], $0x0  }
0x19: {  	s7 =	sld [smem:$0x3F9B]  }
0x1a: {  	s8 =	sadd.s32 $0xFFFFE003, lr  }
0x1b: {  	s9 =	sadd.s32 $0xFFFFFEF7, lr;
	s5 =	simm.s32 $0xFFFFFFFF;
	p2 =	slt.u32 s8, $0xFFFFF086  }
0x1c: {  	p1 =	slt.u32 s9, $0xF7A;
	s5 =	simm.s32 @!p2 $0x0  }
0x1d: {  	s5 =	simm.s32 @p1 $0x1;
	p0 =	seq.s32 s7, s2  }
0x1e: {  	s7 =	smul.u32 @!p0 $0xF7A, s2;
	p2 =	seq.s32 @!p0 s5, $0x0  }
0x1f: {  	s9 =	smul.u32 $0xF7A, s1;
	s8 =	simm.s32 @!p0 $0x1BF5;
	p2 =	por !p2, p0  }
0x20: {  	[sflag:s8] =	ssyncset.s32 @!p0 $0xFFFFF086;
	s6 =	sadd.s32 @!p0 s3, s7;
	s7 =	simm.s32 @!p0 $0x108  }
0x21: {  	s3 =	sadd.s32 s3, s9;
	s6 =	sadd.s32 @!p0 $0x88, s6;
	s7 =	simm.s32 @p2 $0x1082  }
0x22: {  	[simem:s7], [sflag:s8] =	dma.local @!p0 [hbm:s6], $0xF7A  }
0x23: {  	s9 =	sor.u32 $0xD0000000, s2;
	s6 =	simm.s32 $0x108;
	_ =	swait.ge @!p0 [sflag:s8], $0x0  }
0x24: {  	s3 =	sadd.s32 $0x88, s3;
	s6 =	simm.s32 @!p1 $0x1082;
	[sflag:s4] =	ssyncset.s32 $0xFFFFF086  }
0x25: {  	[simem:s6], [sflag:s4] =	dma.local [hbm:s3], $0xF7A  }
0x26: {  	[smem:$0x3F9B] =	sst s1;
	(tag) =	ssettag s2;
	_ =	strace s9  }
0x27: {  	s1 =	sld [smem:$0x3FAB]  }
0x28: {  	s2 =	sld [smem:$0x3FAC]  }
0x29: {  	s4 =	sld [smem:$0x3FAE]  }
0x2a: {  	p0 =	seq.s32 s5, $0x0;
	s5 =	sld [smem:$0x3FAF]  }
0x2b: {  	s6 =	sld [smem:$0x3FB0]  }
0x2c: {  	s7 =	sld [smem:$0x3FB1]  }
0x2d: {  	s3 =	simm.s32 $0x108;
	s8 =	sld [smem:$0x3FB2]  }
0x2e: {  	s3 =	simm.s32 @!p0 $0x1082;
	s9 =	sld [smem:$0x3FB3]  }
0x2f: {  	lr =	sadd.s32 s0, s3;
	s0 =	sld [smem:$0x3FAA]  }
0x30: {  	s3 =	sld [smem:$0x3FAD]  }
0x31: {  	[smem:$0x3FB6] =	sst s10  }
0x32: {  	s10 =	sld [smem:$0x3FB4];
	_ =	sdelay $0x3  }
0x33: {  	p0 =	seq.s32 s10, $0x1;
	s10 =	sld [smem:$0x3FB6];
	_ =	sdelay $0x3  }
0x34: {  	[smem:$0x3FB6] =	sst s10  }
0x35: {  	s10 =	sld [smem:$0x3FB5];
	_ =	sdelay $0x3  }
0x36: {  	p1 =	seq.s32 s10, $0x1;
	s10 =	sld [smem:$0x3FB6];
	_ =	sdelay $0x3  }
0x37: {  	[smem:$0x3FB6] =	sst s10  }
0x38: {  	s10 =	sld [smem:$0x3FB7]  }
0x39: {  	_ = 	snop;
	(pc) =	sbr.ind lr, $3  }
0x3a: {  	_ = 	snop  }
0x3b: {  	_ = 	snop  }
0x3c: {  	p2 =	seq.s32 s10, $0x1;
	s10 =	sld [smem:$0x3FB6]  }
0x3d: {  	_ =	shalt  }
0x3e: {  	_ =	shalt  }
0x3f: {  	_ =	shalt  }
0x40: {  	_ =	shalt  }
0x41: {  	_ =	shalt  }
0x42: {  	_ =	shalt  }
0x43: {  	_ =	shalt  }
0x44: {  	_ =	shalt  }
0x45: {  	_ =	shalt  }
0x46: {  	_ =	shalt  }
0x47: {  	_ =	shalt  }
0x48: {  	_ =	shalt  }
0x49: {  	_ =	shalt  }
0x4a: {  	_ =	shalt  }
0x4b: {  	_ =	shalt  }
0x4c: {  	_ =	shalt  }
0x4d: {  	_ =	shalt  }
0x4e: {  	_ =	shalt  }
0x4f: {  	_ =	shalt  }
0x50: {  	_ =	shalt  }
0x51: {  	_ =	shalt  }
0x52: {  	_ =	shalt  }
0x53: {  	_ =	shalt  }
0x54: {  	_ =	shalt  }
0x55: {  	_ =	shalt  }
0x56: {  	_ =	shalt  }
0x57: {  	_ =	shalt  }
0x58: {  	_ =	shalt  }
0x59: {  	_ =	shalt  }
0x5a: {  	_ =	shalt  }
0x5b: {  	_ =	shalt  }
0x5c: {  	_ =	shalt  }
0x5d: {  	_ =	shalt  }
0x5e: {  	_ =	shalt  }
0x5f: {  	_ =	shalt  }
0x60: {  	_ =	shalt  }
0x61: {  	_ =	shalt  }
0x62: {  	_ =	shalt  }
0x63: {  	_ =	shalt  }
0x64: {  	_ =	shalt  }
0x65: {  	_ =	shalt  }
0x66: {  	_ =	shalt  }
0x67: {  	_ =	shalt  }
0x68: {  	_ =	shalt  }
0x69: {  	_ =	shalt  }
0x6a: {  	_ =	shalt  }
0x6b: {  	_ =	shalt  }
0x6c: {  	_ =	shalt  }
0x6d: {  	_ =	shalt  }
0x6e: {  	_ =	shalt  }
0x6f: {  	_ =	shalt  }
0x70: {  	_ =	shalt  }
0x71: {  	_ =	shalt  }
0x72: {  	_ =	shalt  }
0x73: {  	_ =	shalt  }
0x74: {  	_ =	shalt  }
0x75: {  	_ =	shalt  }
0x76: {  	_ =	shalt  }
0x77: {  	_ =	shalt  }
0x78: {  	_ =	shalt  }
0x79: {  	_ =	shalt  }
0x7a: {  	_ =	shalt  }
0x7b: {  	_ =	shalt  }
0x7c: {  	_ =	shalt  }
0x7d: {  	_ =	shalt  }
0x7e: {  	_ =	shalt  }
0x7f: {  	_ =	shalt  }
0x80: {  	_ =	shalt  }
0x81: {  	_ =	shalt  }
0x82: {  	_ =	shalt  }
0x83: {  	_ =	shalt  }
0x84: {  	_ =	shalt  }
0x85: {  	_ =	shalt  }
0x86: {  	_ =	shalt  }
0x87: {  	_ =	shalt  }
.Lfunc_end0:
.L_simem_size_0:
called_computation_lowered:
.L_overlay_start_0:
0x88: {  	s2 =	sld [smem:$0x3FD9]  }
0x89: {  	s3 =	sld [smem:$0x3FFE];
	_ =	sdelay $0x1  }
0x8a: {  	s1 =	srdreg.scid  }
0x8b: {  	s0 =	sand.u32 $0x1, s1  }
0x8c: {  	s17 =	sshll.u32 s0, $0xA;
	s2 =	sadd.s32 s3, s2  }
0x8d: {  	s2 =	sadd.s32 s2, s17  }
0x8e: {  	[smem:$0x3FC2] =	sst s2  }
0x8f: {  	_ = 	snop  }
0x90: {  	s2 =	sld [smem:$0x3FC7]  }
0x91: {  	s18 =	sld [smem:$0x3FC5]  }
0x92: {  	s4 =	sld [smem:$0x3FC4];
	(tm) =	ssettm $0x1  }
0x93: {  	s5 =	sld [smem:$0x3FFB];
	_ =	sdelay $0x3  }
0x94: {  	_ =	strace s5  }
0x95: {  	s5 =	sld [smem:$0x3FFC];
	_ =	sdelay $0x3  }
0x96: {  	_ =	strace s5  }
0x97: {  	s5 =	sld [smem:$0x3FFD];
	_ =	sdelay $0x3  }
0x98: {  	_ =	strace s5  }
0x99: {  	_ =	strace $0x8FFFFFFF  }
0x9a: {  	s19 =	sld [smem:$0x3FDB];
	_ =	sdelay $0x1  }
0x9b: {  	s6 =	simm.s32 $_scs_section_size  }
0x9c: {  	s7 =	simm.s32 $_size__tile_overlayer_lowered;
	s8 =	simm.s32 $_tile_overlayer_lowered  }
0x9d: {  	s22 =	simm.s32 $0x1BFF;
	s21 =	sshll.u32 s8, $0x1;
	s5 =	sadd.s32 s6, s19  }
0x9e: {  	s9 =	simm.s32 $0x0;
	s20 =	sshll.u32 s7, $0x1;
	s7 =	sadd.s32 s21, s5  }
0x9f: {  	[timem:s9], [sflag:s22] =	dma.local [hbm:s7], s20  }
0xa0: {  	_ =	swait.ge [sflag:s22], s20  }
0xa1: {  	s6 =	ssub.s32 $0x0, s20;
	[sflag:s22] =	ssyncset.done $0x0  }
0xa2: {  	[sflag:s22] =	ssyncadd.s32 s6;
	_ =	sdelay $0x1  }
0xa3: {  	s23 =	simm.s32 $0x1B8B  }
0xa4: {  	_ =	swait.ge [sflag:s23], $0x1  }
0xa5: {  	[sflag:s23] =	ssyncset.done $0x0  }
0xa6: {  	s25 =	simm.s32 $0x1B8E;
	s24 =	sld [smem:$0x3FFE];
	[sflag:s23] =	ssyncadd.s32 $0xFFFFFFFF  }
0xa7: {  	s26 =	simm.s32 $execute0_lowered;
	[smem:$0x3FD2] =	sst s25  }
0xa8: {  	s7 =	sshll.u32 s26, $0x1;
	_ =	strace $0x80000046;
	[dreg:$0x1] =	wrdreg $0xFFFFFFFF  }
0xa9: {  	s28 =	simm.s32 $_size_execute0_lowered;
	s5 =	sadd.s32 s5, s7;
	[dreg:$0x0] =	wrdreg $0x0  }
0xaa: {  	s7 =	sshll.u32 s28, $0x1;
	[dreg:$0x2] =	wrdreg s5  }
0xab: {  	[dreg:$0x3] =	wrdreg s7  }
0xac: {  	[dreg:$0x4] =	wrdreg $0xC0  }
0xad: {  	_ =	task [dreg:s9], $0x5FFFF  }
0xae: {  	[dreg:$0x1] =	wrdreg $0xFFFFFFFF  }
0xaf: {  	[dreg:$0x0] =	wrdreg $0x60  }
0xb0: {  	[dreg:$0x2] =	wrdreg s18  }
0xb1: {  	[dreg:$0x3] =	wrdreg s4  }
0xb2: {  	[dreg:$0x4] =	wrdreg s24  }
0xb3: {  	[dreg:$0x5] =	wrdreg s2  }
0xb4: {  	[dreg:$0x6] =	wrdreg $0x16B800  }
0xb5: {  	[dreg:$0x7] =	wrdreg $0x9  }
0xb6: {  	_ =	task.clear_ibuf [dreg:s9], $0x8FFFF;
	_ =	strace $0x90000046  }
0xb7: {  	s29 =	simm.s32 $0x9;
	_ =	strace $0x80000048  }
0xb8: {  	_ =	swait.ge [sflag:s29], $0x1  }
0xb9: {  	[sflag:s29] =	ssyncadd.s32 $0xFFFFFFFF  }
0xba: {  	_ =	strace $0x90000048  }
0xbb: {  	_ =	sfence  }
0xbc: {  	s30 =	sld [smem:$0x0];
	_ =	sdelay $0x2  }
0xbd: {  	s31 =	sshll.u32 s1, $0xD;
	s1 =	sshrl.u32 s1, $0x2  }
0xbe: {  	s3 =	sand.u32 $0x4000, s31;
	s1 =	sadd.s32 s1, s30  }
0xbf: {  	s0 =	sor.u32 s3, s0;
	s1 =	sshll.u32 s1, $0x11  }
0xc0: {  	s0 =	sor.u32 s1, s0  }
0xc1: {  	s0 =	sadd.s32 $0x8F2B, s0  }
0xc2: {  	[sflag:s0] =	ssyncadd.remote.s32 $0x1  }
0xc3: {  	_ =	sfence.sel $0xFFFF  }
0xc4: {  	[dreg:$0x0] =	wrdreg $0xFFFFFFFF;
	(pc) =	sbr.abs _section_cstart, $3  }
0xc5: {  	[dreg:$0x1] =	wrdreg $0xFFFFFFFF  }
0xc6: {  	_ =	task.clear_ibuf [dreg:s9], $0x2FFFF;
	_ =	strace $0x9FFFFFFF  }
0xc7: {  	(tm) =	ssettm $0x7FFFFFFF  }
tec
execute0_lowered:
.L_overlay_start_1:
0x0: {  	(tag) =	ssettag $0x1  }
0x1: {  	s0 =	rddreg [dreg:$0x0]  }
0x2: {  	s25 =	rddreg [dreg:$0x1]  }
0x3: {  	s2 =	rddreg [dreg:$0x2]  }
0x4: {  	s5 =	rddreg [dreg:$0x3]  }
0x5: {  	s1 =	stileid.u32;
	s4 =	srdreg.scid  }
0x6: {  	s3 =	rddreg [dreg:$0x4];
	s29 =	simm.s32 $0x10000;
	s28 =	simm.s32 $0x80  }
0x7: {  	s30 =	simm.s32 $0x10280;
	s7 =	sand.u32 $0x1, s4;
	s6 =	sshll.u32 s1, $0x1  }
0x8: {  	s4 =	simm.s32 $0x0;
	s20 =	sshll.u32 s1, $0xB;
	s10 =	sshll.u32 s1, $0xA  }
0x9: {  	s11 =	sadd.s32 $0x1200, s2;
	s26 =	sshll.u32 s1, $0xD;
	s16 =	sshll.u32 s1, $0xC  }
0xa: {  	s17 =	sshll.u32 s1, $0x8;
	s8 =	sor.u32 s7, s6;
	[smem:$0x7FF] =	sst s4  }
0xb: {  	s10 =	sadd.s32 s10, s2;
	s12 =	ssub.s32 $0x2, s7;
	s31 =	sshll.u32 s7, $0xE  }
0xc: {  	s18 =	sshll.u32 s7, $0x7;
	s19 =	sshll.u32 s7, $0xB;
	s7 =	simm.s32 $0x2  }
0xd: {  	s9 =	sshll.u32 s8, $0x7;
	_ =	strace $0x80000047;
	[dreg:$0x6] =	wrdreg s11  }
0xe: {  	s21 =	sshll.u32 s8, $0x2;
	s22 =	sshrl.u32 s12, $0x1;
	p0 =	slt.u32 s8, $0xD  }
0xf: {  	s14 =	sshll.u32 s8, $0xB;
	s15 =	sshll.u32 s8, $0x4;
	s11 =	sadd.s32 $0x30D0, s25  }
0x10: {  	p1 =	sne.s32 s8, $0x1F;
	s6 =	sor.u32 s20, s9;
	s12 =	ssub.s32 s12, s22  }
0x11: {  	s14 =	sadd.s32 s0, s14;
	s23 =	sadd.s32 s25, s15;
	s9 =	sor.u32 $0x1000, s9  }
0x12: {  	s22 =	sadd.s32 s26, s3;
	s5 =	sadd.s32 s5, s21;
	[dreg:$0xf] =	wrdreg s11  }
0x13: {  	s11 =	simm.s32 $0x0;
	s6 =	sand.u32 $0x6380, s6;
	[dreg:$0x7] =	wrdreg s14  }
0x14: {  	[dreg:$0x8] =	wrdreg s23;
	s24 =	sshll.u32 s9, $0x4;
	s9 =	sshrl.u32 s9, $0x3  }
0x15: {  	[dreg:$0xc] =	wrdreg s5;
	s15 =	smax.u32 s12, $0x1;
	s5 =	sor.u32 s18, s17  }
0x16: {  	s12 =	simm.s32 $0x3;
	s17 =	simm.s32 $0x4;
	s18 =	simm.s32 $0x8  }
0x17: {  	[dreg:$0xb] =	wrdreg s22;
	s6 =	sshrl.u32 s6, $0x3;
	s14 =	sadd.s32 s0, s24  }
0x18: {  	s9 =	sadd.s32 s25, s9;
	[dreg:$0x12] =	wrdreg s15;
	s20 =	sor.u32 $0x3000, s5  }
0x19: {  	s23 =	sor.u32 $0x5000, s5;
	s15 =	simm.s32 $0x5;
	s13 =	sadd.s32 s6, s2  }
0x1a: {  	s2 =	sadd.s32 s21, s2;
	s6 =	simm.s32 $0x19;
	[dreg:$0x9] =	wrdreg s14  }
0x1b: {  	[dreg:$0xa] =	wrdreg s9;
	s9 =	sadd.s32 $0x186800, s0;
	s0 =	sadd.s32 s16, s0  }
0x1c: {  	s21 =	sor.u32 $0x2000, s5;
	s26 =	sshrl.u32 s23, $0x3;
	s23 =	simm.s32 $0xD  }
0x1d: {  	s16 =	simm.s32 $0x9;
	s6 =	simm.s32 @!p0 $0x18;
	s2 =	sadd.s32 $0xD400, s2  }
0x1e: {  	[dreg:$0xe] =	wrdreg s9;
	s14 =	sadd.s32 $0xC400, s13;
	s19 =	sadd.s32 s19, s0  }
0x1f: {  	s0 =	sshrl.u32 s20, $0x3;
	p0 =	sgt.u32 s8, $0xC;
	s8 =	simm.s32 $0x6  }
0x20: {  	s9 =	simm.s32 $0xC000;
	s13 =	simm.s32 $0x7;
	[dreg:$0xd] =	wrdreg s2  }
0x21: {  	s20 =	simm.s32 $0xA;
	s2 =	sadd.s32 s31, s10;
	[dreg:$0x10] =	wrdreg s14  }
0x22: {  	s0 =	sadd.s32 s0, s25;
	s31 =	sor.u32 $0x4000, s5;
	s5 =	simm.s32 $0x10080  }
0x23: {  	s14 =	simm.s32 $0x1;
	s10 =	simm.s32 $0x10180;
	[dreg:$0x13] =	wrdreg s0  }
0x24: {  	s2 =	sadd.s32 $0x4400, s2;
	[dreg:$0x15] =	wrdreg s31;
	s0 =	sadd.s32 s26, s25  }
0x25: {  	s26 =	simm.s32 $0x4000;
	[dreg:$0x11] =	wrdreg s2;
	s2 =	sshrl.u32 s21, $0x3  }
0x26: {  	v0 =	vimm.f32 $0.0e+00;
	vm0 =	vmmov $0xffff;
	v2 =	vlaneseq.u32;
	[dreg:$0x16] =	wrdreg s0;
	s0 =	simm.s32 $0x10100;
	s24 =	sadd.s32 s2, s25  }
0x27: {  	v3 =	vimm.f32 $1.000000000e+00;
	v1 =	vmul.u32 $0x80, v2;
	v2 =	vmul.u32 $0x400, v2;
	s2 =	simm.s32 $0x8000;
	[dreg:$0x14] =	wrdreg s24;
	s24 =	simm.s32 $0x10080  }
.LBB2_1:
0x28: {  	[dreg:$0x17] =	wrdreg s11  }
0x29: {  	s1 =	rddreg [dreg:$0x7]  }
0x2a: {  	[tilespmem:s4], [sflag:$0x1] =	stream.linear.gather [hbm4b:s1+s4], $0x4000, $0x38;
	[tilespmem:$0x18B80] =	vst v63  }
0x2b: {  	s31 =	rddreg [dreg:$0x8]  }
0x2c: {  	[tilespmem:s29], [sflag:$0x5] =	stream.linear.gather [hbm4b:s31+s4], $0x80, $0x38;
	[tilespmem:$0x18B80] =	vst v63  }
0x2d: {  	s11 =	rddreg [dreg:$0x9]  }
0x2e: {  	[tilespmem:s26], [sflag:$0x2] =	stream.linear.gather [hbm4b:s11+s4], $0x4000, $0x38;
	[tilespmem:$0x18B80] =	vst v63  }
0x2f: {  	s21 =	rddreg [dreg:$0xa];
	s31 =	simm.s32 $0x0  }
0x30: {  	[tilespmem:s5], [sflag:$0x6] =	stream.linear.gather [hbm4b:s21+s4], $0x80, $0x38;
	[tilespmem:$0x18B80] =	vst v63  }
0x31: {  	[tilespmem:s31+$0x14B80] =	vst v0  }
0x32: {  	[tilespmem:s31+$0x14B90] =	vst v0  }
0x33: {  	[tilespmem:s31+$0x14BA0] =	vst v0  }
0x34: {  	[tilespmem:s31+$0x14BB0] =	vst v0  }
0x35: {  	[tilespmem:s31+$0x14BC0] =	vst v0  }
0x36: {  	[tilespmem:s31+$0x14BD0] =	vst v0  }
0x37: {  	[tilespmem:s31+$0x14BE0] =	vst v0  }
0x38: {  	s11 =	simm.s32 $0x200;
	s5 =	simm.s32 $0x10300;
	[tilespmem:s31+$0x14BF0] =	vst v0  }
.LBB2_2:
0x39: {  	p2 =	sne.s32 s11, $0x7E00;
	[tilespmem:s5+$0x70] =	vst v0  }
0x3a: {  	[tilespmem:s5+$0xFFFFFF80] =	vst v0  }
0x3b: {  	[tilespmem:s5+$0xFFFFFF90] =	vst v0  }
0x3c: {  	[tilespmem:s5+$0xFFFFFFA0] =	vst v0  }
0x3d: {  	[tilespmem:s5+$0xFFFFFFB0] =	vst v0  }
0x3e: {  	[tilespmem:s5+$0xFFFFFFC0] =	vst v0  }
0x3f: {  	[tilespmem:s5+$0x50] =	vst v0  }
0x40: {  	[tilespmem:s5+$0x60] =	vst v0  }
0x41: {  	[tilespmem:s5+$0x40] =	vst v0  }
0x42: {  	[tilespmem:s5+$0x30] =	vst v0  }
0x43: {  	[tilespmem:s5+$0x20] =	vst v0  }
0x44: {  	[tilespmem:s5+$0x10] =	vst v0  }
0x45: {  	[tilespmem:s5+$0x0] =	vst v0  }
0x46: {  	[tilespmem:s5+$0xFFFFFFF0] =	vst v0  }
0x47: {  	[tilespmem:s5+$0xFFFFFFE0] =	vst v0  }
0x48: {  	s21 =	sshra.s32 s11, $0x2;
	[tilespmem:s5+$0xFFFFFFD0] =	vst v0  }
0x49: {  	[tilespmem:s21+$0x14B80] =	vst v0  }
0x4a: {  	[tilespmem:s21+$0x14B90] =	vst v0  }
0x4b: {  	[tilespmem:s21+$0x14BA0] =	vst v0  }
.Ltmp0:
0x4c: {  	[tilespmem:s21+$0x14BB0] =	vst v0;
	(pc) =	sbr.rel @p2 .LBB2_2-.Ltmp0, $4  }
0x4d: {  	[tilespmem:s21+$0x14BC0] =	vst v0  }
0x4e: {  	[tilespmem:s21+$0x14BD0] =	vst v0  }
0x4f: {  	[tilespmem:s21+$0x14BE0] =	vst v0  }
0x50: {  	s11 =	sadd.s32 $0x200, s11;
	s5 =	sadd.s32 $0x100, s5;
	[tilespmem:s21+$0x14BF0] =	vst v0  }
0x51: {  	[tilespmem:s5+$0x70] =	vst v0  }
0x52: {  	[tilespmem:s5+$0xFFFFFF80] =	vst v0  }
0x53: {  	[tilespmem:s5+$0xFFFFFF90] =	vst v0  }
0x54: {  	[tilespmem:s5+$0xFFFFFFA0] =	vst v0  }
0x55: {  	[tilespmem:s5+$0xFFFFFFB0] =	vst v0  }
0x56: {  	[tilespmem:s5+$0xFFFFFFC0] =	vst v0  }
0x57: {  	[tilespmem:s5+$0x50] =	vst v0  }
0x58: {  	[tilespmem:s5+$0x60] =	vst v0  }
0x59: {  	[tilespmem:s5+$0x40] =	vst v0  }
0x5a: {  	[tilespmem:s5+$0x30] =	vst v0  }
0x5b: {  	[tilespmem:s5+$0x20] =	vst v0  }
0x5c: {  	[tilespmem:s5+$0x10] =	vst v0  }
0x5d: {  	[tilespmem:s5+$0x0] =	vst v0  }
0x5e: {  	[tilespmem:s5+$0xFFFFFFF0] =	vst v0  }
0x5f: {  	[tilespmem:s5+$0xFFFFFFE0] =	vst v0  }
0x60: {  	[tilespmem:s5+$0xFFFFFFD0] =	vst v0;
	s1 =	simm.s32 $0x14B80  }
0x61: {  	[spmem:s22] =	stream.linear.scatter [tilespmem:s1], [sflag:$0xD], $0x2000, $0x38;
	[tilespmem:$0x18B80] =	vst v63  }
0x62: {  	_ =	swait.ge [sflag:s23], $0x2000  }
0x63: {  	[sflag:s23] =	ssyncset.done $0x0  }
0x64: {  	[sflag:s23] =	ssyncadd.s32 $0xFFFFE000  }
0x65: {  	[bflag:$0x0] =	sbarrier.arrive $0xFFFF  }
0x66: {  	s21 =	simm.s32 $0x0;
	s22 =	simm.s32 $0x14280;
	s11 =	rddreg [dreg:$0xc]  }
0x67: {  	[tilespmem:s22], [sflag:$0xD] =	stream.linear.gather [hbm4b:s11+s21], $0x20, $0x38;
	[tilespmem:$0x18B80] =	vst v63  }
0x68: {  	_ =	swait.ge [sflag:s23], $0x20  }
0x69: {  	[sflag:s23] =	ssyncset.done $0x0  }
0x6a: {  	[sflag:s23] =	ssyncadd.s32 $0xFFFFFFE0  }
0x6b: {  	v4 =	vld [tilespmem:$0x14280];
	_ =	sdelay $0x4  }
0x6c: {  	v5 =	vshrl.u32 v4, $0x7;
	_ =	sdelay $0x3  }
0x6d: {  	s22 =	simm.s32 $0x14380;
	s11 =	rddreg [dreg:$0x6]  }
0x6e: {  	[tilespmem:s22], [sflag:$0xD] =	stream.indirect_vreg.gather [hbm4b:s11+s21], $0x80, v5, vm0, $0xb8;
	[tilespmem:$0x18B80] =	vst v63  }
0x6f: {  	_ =	swait.ge [sflag:s23], $0x800  }
0x70: {  	v4 =	vand.u32 $0x7F, v4;
	[sflag:s23] =	ssyncset.done $0x0  }
0x71: {  	v4 =	vor.u32 v1, v4;
	[sflag:s23] =	ssyncadd.s32 $0xFFFFF800  }
0x72: {  	v5 =	vld [tilespmem:$0x14290];
	_ =	sdelay $0x3  }
0x73: {  	v4 =	vld.idx.msk [tilespmem:v4+s22+$0x0], $0xffff  }
0x74: {  	v6 =	vshrl.u32 v5, $0x7;
	_ =	sdelay $0x2  }
0x75: {  	v5 =	vand.u32 $0x7F, v5  }
0x76: {  	[tilespmem:$0x14300] =	vst v4;
	v4 =	vor.u32 v1, v5  }
0x77: {  	[tilespmem:s22], [sflag:$0xD] =	stream.indirect_vreg.gather [hbm4b:s11+s21], $0x80, v6, vm0, $0xb8;
	[tilespmem:$0x18B80] =	vst v63  }
0x78: {  	_ =	swait.ge [sflag:s23], $0x800  }
0x79: {  	[sflag:s23] =	ssyncset.done $0x0  }
0x7a: {  	[sflag:s23] =	ssyncadd.s32 $0xFFFFF800  }
0x7b: {  	v4 =	vld.idx.msk [tilespmem:v4+s22+$0x0], $0xffff;
	_ =	sdelay $0x4  }
0x7c: {  	s11 =	rddreg [dreg:$0xd];
	s22 =	simm.s32 $0x14300;
	[tilespmem:$0x14310] =	vst v4  }
0x7d: {  	[hbm4b:s11+s21] =	stream.linear.scatter [tilespmem:s22], [sflag:$0xD], $0x20, $0x38;
	[tilespmem:$0x18B80] =	vst v63  }
0x7e: {  	_ =	swait.ge [sflag:s23], $0x20  }
0x7f: {  	s5 =	rddreg [dreg:$0x16]  }
0x80: {  	s11 =	rddreg [dreg:$0x15]  }
0x81: {  	[sflag:s23] =	ssyncset.done $0x0;
	s31 =	rddreg [dreg:$0x14]  }
0x82: {  	s22 =	simm.s32 $0x5;
	[sflag:s23] =	ssyncadd.s32 $0xFFFFFFE0;
	s23 =	rddreg [dreg:$0x13]  }
.LBB2_4:
0x83: {  	_ =	swait.ge [sflag:s14], $0x4000  }
0x84: {  	[sflag:s14] =	ssyncset.done $0x0  }
0x85: {  	[sflag:s14] =	ssyncadd.s32 $0xFFFFC000  }
0x86: {  	_ =	swait.ge [sflag:s15], $0x80  }
0x87: {  	[sflag:s15] =	ssyncset.done $0x0  }
0x88: {  	[sflag:s15] =	ssyncadd.s32 $0xFFFFFF80  }
0x89: {  	[spmem:s3] =	stream.indirect.scatter.add.f32 [tilespmem:s4], [sflag:$0x9], $0x80, s29, s28, $0xb8;
	[tilespmem:$0x18B80] =	vst v63  }
0x8a: {  	v4 =	vld [tilespmem:$0x10000];
	_ =	sdelay $0x4  }
0x8b: {  	v4 =	vadd.s32 v2, v4;
	_ =	sdelay $0x4  }
0x8c: {  	[tilespmem:v4+s30+$0x0] =	vst.idx.add.f32.msk $0xffff, v3  }
0x8d: {  	v4 =	vld [tilespmem:$0x10010];
	_ =	sdelay $0x4  }
0x8e: {  	v4 =	vadd.s32 v2, v4;
	_ =	sdelay $0x4  }
0x8f: {  	[tilespmem:v4+s30+$0x0] =	vst.idx.add.f32.msk $0xffff, v3  }
0x90: {  	v4 =	vld [tilespmem:$0x10020];
	_ =	sdelay $0x4  }
0x91: {  	v4 =	vadd.s32 v2, v4;
	_ =	sdelay $0x4  }
0x92: {  	[tilespmem:v4+s30+$0x0] =	vst.idx.add.f32.msk $0xffff, v3  }
0x93: {  	v4 =	vld [tilespmem:$0x10030];
	_ =	sdelay $0x4  }
0x94: {  	v4 =	vadd.s32 v2, v4;
	_ =	sdelay $0x4  }
0x95: {  	[tilespmem:v4+s30+$0x0] =	vst.idx.add.f32.msk $0xffff, v3  }
0x96: {  	v4 =	vld [tilespmem:$0x10040];
	_ =	sdelay $0x4  }
0x97: {  	v4 =	vadd.s32 v2, v4;
	_ =	sdelay $0x4  }
0x98: {  	[tilespmem:v4+s30+$0x0] =	vst.idx.add.f32.msk $0xffff, v3  }
0x99: {  	v4 =	vld [tilespmem:$0x10050];
	_ =	sdelay $0x4  }
0x9a: {  	v4 =	vadd.s32 v2, v4;
	_ =	sdelay $0x4  }
0x9b: {  	[tilespmem:v4+s30+$0x0] =	vst.idx.add.f32.msk $0xffff, v3  }
0x9c: {  	v4 =	vld [tilespmem:$0x10060];
	_ =	sdelay $0x4  }
0x9d: {  	v4 =	vadd.s32 v2, v4;
	_ =	sdelay $0x4  }
0x9e: {  	[tilespmem:v4+s30+$0x0] =	vst.idx.add.f32.msk $0xffff, v3  }
0x9f: {  	v4 =	vld [tilespmem:$0x10070];
	_ =	sdelay $0x4  }
0xa0: {  	v4 =	vadd.s32 v2, v4;
	_ =	sdelay $0x3  }
0xa1: {  	p2 =	seq.s32 s21, $0x0  }
0xa2: {  	s29 =	simm.s32 @!p2 $0xB;
	[tilespmem:v4+s30+$0x0] =	vst.idx.add.f32.msk $0xffff, v3  }
0xa3: {  	_ =	swait.ge @!p2 [sflag:s29], $0x4000  }
0xa4: {  	s1 =	sadd.s32 s21, s19;
	[sflag:s29] =	ssyncset.done @!p2 $0x0  }
0xa5: {  	[sflag:s29] =	ssyncadd.s32 @!p2 $0xFFFFC000;
	s29 =	sadd.s32 $0x20000, s1  }
0xa6: {  	[tilespmem:s2], [sflag:$0x3] =	stream.linear.gather [hbm4b:s29+s4], $0x4000, $0x38;
	[tilespmem:$0x18B80] =	vst v63  }
0xa7: {  	_ = 	snop  }
0xa8: {  	[tilespmem:s0], [sflag:$0x7] =	stream.linear.gather [hbm4b:s31+s4], $0x80, $0x38;
	[tilespmem:$0x18B80] =	vst v63  }
0xa9: {  	_ =	swait.ge [sflag:s7], $0x4000  }
0xaa: {  	[sflag:s7] =	ssyncset.done $0x0  }
0xab: {  	[sflag:s7] =	ssyncadd.s32 $0xFFFFC000  }
0xac: {  	_ =	swait.ge [sflag:s8], $0x80  }
0xad: {  	[sflag:s8] =	ssyncset.done $0x0  }
0xae: {  	[sflag:s8] =	ssyncadd.s32 $0xFFFFFF80  }
0xaf: {  	[spmem:s3] =	stream.indirect.scatter.add.f32 [tilespmem:s26], [sflag:$0xA], $0x80, s24, s28, $0xb8;
	[tilespmem:$0x18B80] =	vst v63  }
0xb0: {  	v4 =	vld [tilespmem:$0x10080];
	_ =	sdelay $0x4  }
0xb1: {  	v4 =	vadd.s32 v2, v4;
	_ =	sdelay $0x4  }
0xb2: {  	[tilespmem:v4+s30+$0x0] =	vst.idx.add.f32.msk $0xffff, v3  }
0xb3: {  	v4 =	vld [tilespmem:$0x10090];
	_ =	sdelay $0x4  }
0xb4: {  	v4 =	vadd.s32 v2, v4;
	_ =	sdelay $0x4  }
0xb5: {  	[tilespmem:v4+s30+$0x0] =	vst.idx.add.f32.msk $0xffff, v3  }
0xb6: {  	v4 =	vld [tilespmem:$0x100A0];
	_ =	sdelay $0x4  }
0xb7: {  	v4 =	vadd.s32 v2, v4;
	_ =	sdelay $0x4  }
0xb8: {  	[tilespmem:v4+s30+$0x0] =	vst.idx.add.f32.msk $0xffff, v3  }
0xb9: {  	v4 =	vld [tilespmem:$0x100B0];
	_ =	sdelay $0x4  }
0xba: {  	v4 =	vadd.s32 v2, v4;
	_ =	sdelay $0x4  }
0xbb: {  	[tilespmem:v4+s30+$0x0] =	vst.idx.add.f32.msk $0xffff, v3  }
0xbc: {  	v4 =	vld [tilespmem:$0x100C0];
	_ =	sdelay $0x4  }
0xbd: {  	v4 =	vadd.s32 v2, v4;
	_ =	sdelay $0x4  }
0xbe: {  	[tilespmem:v4+s30+$0x0] =	vst.idx.add.f32.msk $0xffff, v3  }
0xbf: {  	v4 =	vld [tilespmem:$0x100D0];
	_ =	sdelay $0x4  }
0xc0: {  	v4 =	vadd.s32 v2, v4;
	_ =	sdelay $0x4  }
0xc1: {  	[tilespmem:v4+s30+$0x0] =	vst.idx.add.f32.msk $0xffff, v3  }
0xc2: {  	v4 =	vld [tilespmem:$0x100E0];
	_ =	sdelay $0x4  }
0xc3: {  	v4 =	vadd.s32 v2, v4;
	_ =	sdelay $0x4  }
0xc4: {  	[tilespmem:v4+s30+$0x0] =	vst.idx.add.f32.msk $0xffff, v3  }
0xc5: {  	v4 =	vld [tilespmem:$0x100F0];
	_ =	sdelay $0x4  }
0xc6: {  	v4 =	vadd.s32 v2, v4;
	_ =	sdelay $0x4  }
0xc7: {  	s29 =	simm.s32 @!p2 $0xC;
	[tilespmem:v4+s30+$0x0] =	vst.idx.add.f32.msk $0xffff, v3  }
0xc8: {  	_ =	swait.ge @!p2 [sflag:s29], $0x4000  }
0xc9: {  	[sflag:s29] =	ssyncset.done @!p2 $0x0  }
0xca: {  	s1 =	sadd.s32 $0x30000, s1;
	[sflag:s29] =	ssyncadd.s32 @!p2 $0xFFFFC000  }
0xcb: {  	[tilespmem:s9], [sflag:$0x4] =	stream.linear.gather [hbm4b:s1+s4], $0x4000, $0x38;
	[tilespmem:$0x18B80] =	vst v63  }
0xcc: {  	_ = 	snop  }
0xcd: {  	[tilespmem:s10], [sflag:$0x8] =	stream.linear.gather [hbm4b:s23+s4], $0x80, $0x38;
	[tilespmem:$0x18B80] =	vst v63  }
0xce: {  	_ =	swait.ge [sflag:s12], $0x4000  }
0xcf: {  	[sflag:s12] =	ssyncset.done $0x0  }
0xd0: {  	[sflag:s12] =	ssyncadd.s32 $0xFFFFC000  }
0xd1: {  	_ =	swait.ge [sflag:s13], $0x80  }
0xd2: {  	[sflag:s13] =	ssyncset.done $0x0  }
0xd3: {  	[sflag:s13] =	ssyncadd.s32 $0xFFFFFF80  }
0xd4: {  	[spmem:s3] =	stream.indirect.scatter.add.f32 [tilespmem:s2], [sflag:$0xB], $0x80, s0, s28, $0xb8;
	[tilespmem:$0x18B80] =	vst v63  }
0xd5: {  	v4 =	vld [tilespmem:$0x10100];
	_ =	sdelay $0x4  }
0xd6: {  	v4 =	vadd.s32 v2, v4;
	_ =	sdelay $0x4  }
0xd7: {  	[tilespmem:v4+s30+$0x0] =	vst.idx.add.f32.msk $0xffff, v3  }
0xd8: {  	v4 =	vld [tilespmem:$0x10110];
	_ =	sdelay $0x4  }
0xd9: {  	v4 =	vadd.s32 v2, v4;
	_ =	sdelay $0x4  }
0xda: {  	[tilespmem:v4+s30+$0x0] =	vst.idx.add.f32.msk $0xffff, v3  }
0xdb: {  	v4 =	vld [tilespmem:$0x10120];
	_ =	sdelay $0x4  }
0xdc: {  	v4 =	vadd.s32 v2, v4;
	_ =	sdelay $0x4  }
0xdd: {  	[tilespmem:v4+s30+$0x0] =	vst.idx.add.f32.msk $0xffff, v3  }
0xde: {  	v4 =	vld [tilespmem:$0x10130];
	_ =	sdelay $0x4  }
0xdf: {  	v4 =	vadd.s32 v2, v4;
	_ =	sdelay $0x4  }
0xe0: {  	[tilespmem:v4+s30+$0x0] =	vst.idx.add.f32.msk $0xffff, v3  }
0xe1: {  	v4 =	vld [tilespmem:$0x10140];
	_ =	sdelay $0x4  }
0xe2: {  	v4 =	vadd.s32 v2, v4;
	_ =	sdelay $0x4  }
0xe3: {  	[tilespmem:v4+s30+$0x0] =	vst.idx.add.f32.msk $0xffff, v3  }
0xe4: {  	v4 =	vld [tilespmem:$0x10150];
	_ =	sdelay $0x4  }
0xe5: {  	v4 =	vadd.s32 v2, v4;
	_ =	sdelay $0x4  }
0xe6: {  	[tilespmem:v4+s30+$0x0] =	vst.idx.add.f32.msk $0xffff, v3  }
0xe7: {  	v4 =	vld [tilespmem:$0x10160];
	_ =	sdelay $0x4  }
0xe8: {  	v4 =	vadd.s32 v2, v4;
	_ =	sdelay $0x4  }
0xe9: {  	[tilespmem:v4+s30+$0x0] =	vst.idx.add.f32.msk $0xffff, v3  }
0xea: {  	v4 =	vld [tilespmem:$0x10170];
	_ =	sdelay $0x4  }
0xeb: {  	v4 =	vadd.s32 v2, v4;
	_ =	sdelay $0x4  }
0xec: {  	s26 =	sadd.s32 $0xFFFFFFFF, s22;
	[tilespmem:v4+s30+$0x0] =	vst.idx.add.f32.msk $0xffff, v3  }
0xed: {  	p2 =	sge.u32 s26, s6;
	_ =	swait.ge [sflag:s16], $0x4000  }
0xee: {  	s1 =	sadd.s32 @!p2 s21, s19;
	[sflag:s16] =	ssyncset.done $0x0  }
0xef: {  	s29 =	simm.s32 @!p2 $0x0;
	s1 =	sadd.s32 @!p2 $0x40000, s1;
	[sflag:s16] =	ssyncadd.s32 $0xFFFFC000  }
0xf0: {  	[tilespmem:s29], [sflag:$0x1] =	stream.linear.gather @!p2 [hbm4b:s1+s29], $0x4000, $0x38;
	[tilespmem:$0x18B80] =	vst v63  }
0xf1: {  	s1 =	sshrl.u32 @!p2 s11, $0x3  }
0xf2: {  	s26 =	smov.u32 s25;
	s1 =	sadd.s32 @!p2 s25, s1;
	s25 =	simm.s32 @!p2 $0x10000  }
0xf3: {  	[tilespmem:s25], [sflag:$0x5] =	stream.linear.gather @!p2 [hbm4b:s1+s29], $0x80, $0x38;
	[tilespmem:$0x18B80] =	vst v63  }
0xf4: {  	_ =	swait.ge [sflag:s17], $0x4000  }
0xf5: {  	[sflag:s17] =	ssyncset.done $0x0  }
0xf6: {  	[sflag:s17] =	ssyncadd.s32 $0xFFFFC000  }
0xf7: {  	_ =	swait.ge [sflag:s18], $0x80  }
0xf8: {  	[sflag:s18] =	ssyncset.done $0x0  }
0xf9: {  	[sflag:s18] =	ssyncadd.s32 $0xFFFFFF80  }
0xfa: {  	[spmem:s3] =	stream.indirect.scatter.add.f32 [tilespmem:s9], [sflag:$0xC], $0x80, s10, s28, $0xb8;
	[tilespmem:$0x18B80] =	vst v63  }
0xfb: {  	v4 =	vld [tilespmem:$0x10180];
	_ =	sdelay $0x4  }
0xfc: {  	v4 =	vadd.s32 v2, v4;
	_ =	sdelay $0x4  }
0xfd: {  	[tilespmem:v4+s30+$0x0] =	vst.idx.add.f32.msk $0xffff, v3  }
0xfe: {  	v4 =	vld [tilespmem:$0x10190];
	_ =	sdelay $0x4  }
0xff: {  	v4 =	vadd.s32 v2, v4;
	_ =	sdelay $0x4  }
0x100: {  	[tilespmem:v4+s30+$0x0] =	vst.idx.add.f32.msk $0xffff, v3  }
0x101: {  	v4 =	vld [tilespmem:$0x101A0];
	_ =	sdelay $0x4  }
0x102: {  	v4 =	vadd.s32 v2, v4;
	_ =	sdelay $0x4  }
0x103: {  	[tilespmem:v4+s30+$0x0] =	vst.idx.add.f32.msk $0xffff, v3  }
0x104: {  	v4 =	vld [tilespmem:$0x101B0];
	_ =	sdelay $0x4  }
0x105: {  	v4 =	vadd.s32 v2, v4;
	_ =	sdelay $0x4  }
0x106: {  	[tilespmem:v4+s30+$0x0] =	vst.idx.add.f32.msk $0xffff, v3  }
0x107: {  	v4 =	vld [tilespmem:$0x101C0];
	_ =	sdelay $0x4  }
0x108: {  	v4 =	vadd.s32 v2, v4;
	_ =	sdelay $0x4  }
0x109: {  	[tilespmem:v4+s30+$0x0] =	vst.idx.add.f32.msk $0xffff, v3  }
0x10a: {  	v4 =	vld [tilespmem:$0x101D0];
	_ =	sdelay $0x4  }
0x10b: {  	v4 =	vadd.s32 v2, v4;
	_ =	sdelay $0x4  }
0x10c: {  	[tilespmem:v4+s30+$0x0] =	vst.idx.add.f32.msk $0xffff, v3  }
0x10d: {  	v4 =	vld [tilespmem:$0x101E0];
	_ =	sdelay $0x4  }
0x10e: {  	v4 =	vadd.s32 v2, v4;
	_ =	sdelay $0x4  }
0x10f: {  	[tilespmem:v4+s30+$0x0] =	vst.idx.add.f32.msk $0xffff, v3  }
0x110: {  	v4 =	vld [tilespmem:$0x101F0];
	_ =	sdelay $0x4  }
0x111: {  	v4 =	vadd.s32 v2, v4;
	_ =	sdelay $0x4  }
0x112: {  	[tilespmem:v4+s30+$0x0] =	vst.idx.add.f32.msk $0xffff, v3  }
0x113: {  	p2 =	sge.u32 s22, s6;
	_ =	swait.ge [sflag:s20], $0x4000  }
0x114: {  	s1 =	sadd.s32 @!p2 s21, s19;
	s25 =	simm.s32 @!p2 $0x0;
	[sflag:s20] =	ssyncset.done $0x0  }
0x115: {  	s29 =	simm.s32 @!p2 $0x4000;
	s1 =	sadd.s32 @!p2 $0x50000, s1;
	[sflag:s20] =	ssyncadd.s32 $0xFFFFC000  }
0x116: {  	[tilespmem:s29], [sflag:$0x2] =	stream.linear.gather @!p2 [hbm4b:s1+s25], $0x4000, $0x38;
	[tilespmem:$0x18B80] =	vst v63  }
0x117: {  	s21 =	sadd.s32 $0x40000, s21;
	s1 =	simm.s32 @!p2 $0x10080  }
0x118: {  	[tilespmem:s1], [sflag:$0x6] =	stream.linear.gather @!p2 [hbm4b:s5+s25], $0x80, $0x38;
	[tilespmem:$0x18B80] =	vst v63  }
0x119: {  	p2 =	sne.s32 s21, $0x180000  }
.Ltmp1:
0x11a: {  	_ = 	snop;
	(pc) =	sbr.rel @p2 .LBB2_4-.Ltmp1, $4  }
0x11b: {  	_ = 	snop  }
0x11c: {  	s31 =	sadd.s32 $0x800, s31;
	s23 =	sadd.s32 $0x800, s23  }
0x11d: {  	s11 =	sadd.s32 $0x4000, s11;
	s22 =	sadd.s32 $0x4, s22;
	s29 =	simm.s32 $0x10000  }
0x11e: {  	s25 =	smov.u32 s26;
	s26 =	simm.s32 $0x4000;
	s5 =	sadd.s32 $0x800, s5  }
.Ltmp2:
0x11f: {  	(pc) =	sbr.rel @p0 .LBB2_7-.Ltmp2, $1  }
0x120: {  	_ =	sdelay $0x3  }
0x121: {  	_ =	swait.ge [sflag:s14], $0x4000  }
0x122: {  	[sflag:s14] =	ssyncset.done $0x0  }
0x123: {  	[sflag:s14] =	ssyncadd.s32 $0xFFFFC000  }
0x124: {  	_ =	swait.ge [sflag:s15], $0x80  }
0x125: {  	[sflag:s15] =	ssyncset.done $0x0  }
0x126: {  	[sflag:s15] =	ssyncadd.s32 $0xFFFFFF80  }
0x127: {  	[spmem:s3] =	stream.indirect.scatter.add.f32 [tilespmem:s4], [sflag:$0x9], $0x80, s29, s28, $0xb8;
	[tilespmem:$0x18B80] =	vst v63  }
0x128: {  	v4 =	vld [tilespmem:$0x10000];
	_ =	sdelay $0x4  }
0x129: {  	v4 =	vadd.s32 v2, v4;
	_ =	sdelay $0x4  }
0x12a: {  	[tilespmem:v4+s30+$0x0] =	vst.idx.add.f32.msk $0xffff, v3  }
0x12b: {  	v4 =	vld [tilespmem:$0x10010];
	_ =	sdelay $0x4  }
0x12c: {  	v4 =	vadd.s32 v2, v4;
	_ =	sdelay $0x4  }
0x12d: {  	[tilespmem:v4+s30+$0x0] =	vst.idx.add.f32.msk $0xffff, v3  }
0x12e: {  	v4 =	vld [tilespmem:$0x10020];
	_ =	sdelay $0x4  }
0x12f: {  	v4 =	vadd.s32 v2, v4;
	_ =	sdelay $0x4  }
0x130: {  	[tilespmem:v4+s30+$0x0] =	vst.idx.add.f32.msk $0xffff, v3  }
0x131: {  	v4 =	vld [tilespmem:$0x10030];
	_ =	sdelay $0x4  }
0x132: {  	v4 =	vadd.s32 v2, v4;
	_ =	sdelay $0x4  }
0x133: {  	[tilespmem:v4+s30+$0x0] =	vst.idx.add.f32.msk $0xffff, v3  }
0x134: {  	v4 =	vld [tilespmem:$0x10040];
	_ =	sdelay $0x4  }
0x135: {  	v4 =	vadd.s32 v2, v4;
	_ =	sdelay $0x4  }
0x136: {  	[tilespmem:v4+s30+$0x0] =	vst.idx.add.f32.msk $0xffff, v3  }
0x137: {  	v4 =	vld [tilespmem:$0x10050];
	_ =	sdelay $0x4  }
0x138: {  	v4 =	vadd.s32 v2, v4  }
.Ltmp3:
0x139: {  	_ = 	snop;
	(pc) =	sbr.rel .LBB2_9-.Ltmp3, $3  }
0x13a: {  	_ =	sdelay $0x1  }
0x13b: {  	s11 =	simm.s32 $0x10070  }
0x13c: {  	s5 =	simm.s32 $0x10060;
	s23 =	simm.s32 $0xD;
	s22 =	rddreg [dreg:$0xb];
	[tilespmem:v4+s30+$0x0] =	vst.idx.add.f32.msk $0xffff, v3  }
.LBB2_7:
.Ltmp4:
0x13d: {  	(pc) =	sbr.rel @p1 .LBB2_10-.Ltmp4, $2  }
0x13e: {  	_ =	sdelay $0x2  }
0x13f: {  	s22 =	rddreg [dreg:$0xb];
	s23 =	simm.s32 $0xD  }
0x140: {  	s1 =	rddreg [dreg:$0xe]  }
0x141: {  	[tilespmem:s4], [sflag:$0xD] =	stream.linear.gather [hbm4b:s1+s4], $0x1000, $0x38;
	[tilespmem:$0x18B80] =	vst v63  }
0x142: {  	_ =	swait.ge [sflag:s23], $0x1000  }
0x143: {  	[sflag:s23] =	ssyncset.done $0x0  }
0x144: {  	s5 =	simm.s32 $0x10200;
	s21 =	rddreg [dreg:$0xf];
	[sflag:s23] =	ssyncadd.s32 $0xFFFFF000  }
0x145: {  	[tilespmem:s5], [sflag:$0xD] =	stream.linear.gather [hbm4b:s21+s4], $0x20, $0x38;
	[tilespmem:$0x18B80] =	vst v63  }
0x146: {  	_ =	swait.ge [sflag:s23], $0x20  }
0x147: {  	[sflag:s23] =	ssyncset.done $0x0  }
0x148: {  	s31 =	simm.s32 $0x20;
	[sflag:s23] =	ssyncadd.s32 $0xFFFFFFE0  }
0x149: {  	[spmem:s3] =	stream.indirect.scatter.add.f32 [tilespmem:s4], [sflag:$0xD], $0x80, s5, s31, $0xb8;
	[tilespmem:$0x18B80] =	vst v63  }
0x14a: {  	_ =	swait.ge [sflag:s23], $0x1000  }
0x14b: {  	[sflag:s23] =	ssyncset.done $0x0  }
0x14c: {  	s11 =	simm.s32 $0x10210;
	[sflag:s23] =	ssyncadd.s32 $0xFFFFF000  }
.LBB2_9:
0x14d: {  	v4 =	vld [tilespmem:s5+$0x0];
	_ =	sdelay $0x4  }
0x14e: {  	v4 =	vadd.s32 v2, v4;
	_ =	sdelay $0x4  }
0x14f: {  	[tilespmem:v4+s30+$0x0] =	vst.idx.add.f32.msk $0xffff, v3  }
0x150: {  	v4 =	vld [tilespmem:s11+$0x0];
	_ =	sdelay $0x4  }
0x151: {  	v4 =	vadd.s32 v2, v4;
	_ =	sdelay $0x4  }
0x152: {  	[tilespmem:v4+s30+$0x0] =	vst.idx.add.f32.msk $0xffff, v3  }
.LBB2_10:
0x153: {  	s1 =	simm.s32 $0x0  }
0x154: {  	s11 =	sand.u32 $0x3F0, s1  }
0x155: {  	s5 =	simm.s32 $0x10280;
	s21 =	simm.s32 $0x10;
	v4 =	vld [tilespmem:s11+$0x10680]  }
.LBB2_11:
0x156: {  	p2 =	sne.s32 s21, $0x3F0;
	v5 =	vld [tilespmem:s5+$0x0];
	_ =	sdelay $0x1  }
0x157: {  	v6 =	vld [tilespmem:s11+$0x10A80];
	_ =	sdelay $0x1  }
0x158: {  	v7 =	vld [tilespmem:s11+$0x10E80]  }
0x159: {  	v4 =	vadd.f32 v4, v5  }
0x15a: {  	v5 =	vld [tilespmem:s11+$0x11280]  }
0x15b: {  	v4 =	vadd.f32 v6, v4  }
0x15c: {  	v6 =	vld [tilespmem:s11+$0x11680]  }
0x15d: {  	v4 =	vadd.f32 v7, v4  }
0x15e: {  	v7 =	vld [tilespmem:s11+$0x11A80]  }
0x15f: {  	v4 =	vadd.f32 v5, v4  }
0x160: {  	v5 =	vld [tilespmem:s11+$0x11E80]  }
0x161: {  	v4 =	vadd.f32 v6, v4  }
0x162: {  	v6 =	vld [tilespmem:s11+$0x12280]  }
0x163: {  	v4 =	vadd.f32 v7, v4  }
0x164: {  	v7 =	vld [tilespmem:s11+$0x12680]  }
0x165: {  	v4 =	vadd.f32 v5, v4  }
0x166: {  	v5 =	vld [tilespmem:s11+$0x12A80]  }
0x167: {  	v4 =	vadd.f32 v6, v4  }
0x168: {  	v6 =	vld [tilespmem:s11+$0x12E80]  }
0x169: {  	v4 =	vadd.f32 v7, v4  }
0x16a: {  	v7 =	vld [tilespmem:s11+$0x13280]  }
0x16b: {  	v4 =	vadd.f32 v5, v4  }
0x16c: {  	v5 =	vld [tilespmem:s11+$0x13680]  }
0x16d: {  	v4 =	vadd.f32 v6, v4  }
0x16e: {  	v6 =	vld [tilespmem:s11+$0x13A80]  }
0x16f: {  	v4 =	vadd.f32 v7, v4  }
0x170: {  	v7 =	vld [tilespmem:s11+$0x13E80]  }
0x171: {  	v4 =	vadd.f32 v5, v4;
	_ =	sdelay $0x1  }
0x172: {  	v4 =	vadd.f32 v6, v4  }
.Ltmp5:
0x173: {  	(pc) =	sbr.rel @p2 .LBB2_11-.Ltmp5, $3  }
0x174: {  	v4 =	vadd.f32 v7, v4;
	_ =	sdelay $0x1  }
0x175: {  	s11 =	sand.u32 $0x3F0, s21;
	[tilespmem:s5+$0x0] =	vst v4  }
0x176: {  	s21 =	sadd.s32 $0x10, s21;
	s5 =	sadd.s32 $0x10, s5;
	v4 =	vld [tilespmem:s11+$0x10680]  }
0x177: {  	v5 =	vld [tilespmem:s5+$0x0];
	_ =	sdelay $0x1  }
0x178: {  	v6 =	vld [tilespmem:s11+$0x10A80];
	_ =	sdelay $0x1  }
0x179: {  	v7 =	vld [tilespmem:s11+$0x10E80]  }
0x17a: {  	v4 =	vadd.f32 v4, v5  }
0x17b: {  	v5 =	vld [tilespmem:s11+$0x11280]  }
0x17c: {  	v4 =	vadd.f32 v6, v4  }
0x17d: {  	v56 =	vld [tilespmem:s11+$0x11680]  }
0x17e: {  	v4 =	vadd.f32 v7, v4  }
0x17f: {  	v57 =	vld [tilespmem:s11+$0x11A80]  }
0x180: {  	v4 =	vadd.f32 v5, v4  }
0x181: {  	v5 =	vld [tilespmem:s11+$0x11E80]  }
0x182: {  	v4 =	vadd.f32 v56, v4  }
0x183: {  	v58 =	vld [tilespmem:s11+$0x12280]  }
0x184: {  	v4 =	vadd.f32 v57, v4  }
0x185: {  	v59 =	vld [tilespmem:s11+$0x12680]  }
0x186: {  	v4 =	vadd.f32 v5, v4  }
0x187: {  	v5 =	vld [tilespmem:s11+$0x12A80]  }
0x188: {  	v4 =	vadd.f32 v58, v4  }
0x189: {  	v60 =	vld [tilespmem:s11+$0x12E80]  }
0x18a: {  	v4 =	vadd.f32 v59, v4  }
0x18b: {  	v61 =	vld [tilespmem:s11+$0x13280]  }
0x18c: {  	v4 =	vadd.f32 v5, v4  }
0x18d: {  	v5 =	vld [tilespmem:s11+$0x13680]  }
0x18e: {  	v4 =	vadd.f32 v60, v4  }
0x18f: {  	v62 =	vld [tilespmem:s11+$0x13A80]  }
0x190: {  	v4 =	vadd.f32 v61, v4  }
0x191: {  	v63 =	vld [tilespmem:s11+$0x13E80]  }
0x192: {  	v4 =	vadd.f32 v5, v4;
	_ =	sdelay $0x1  }
0x193: {  	v4 =	vadd.f32 v62, v4;
	_ =	sdelay $0x1  }
0x194: {  	v4 =	vadd.f32 v63, v4;
	_ =	sdelay $0x1  }
0x195: {  	s1 =	simm.s32 $0xB;
	[tilespmem:s5+$0x0] =	vst v4  }
0x196: {  	_ =	swait.ge [sflag:s1], $0x4000  }
0x197: {  	[sflag:s1] =	ssyncset.done $0x0  }
0x198: {  	s11 =	simm.s32 $0xC;
	[sflag:s1] =	ssyncadd.s32 $0xFFFFC000  }
0x199: {  	_ =	swait.ge [sflag:s11], $0x4000  }
0x19a: {  	[sflag:s11] =	ssyncset.done $0x0  }
0x19b: {  	s1 =	simm.s32 @!p0 $0x9;
	[sflag:s11] =	ssyncadd.s32 $0xFFFFC000  }
0x19c: {  	_ =	swait.ge @!p0 [sflag:s1], $0x4000  }
0x19d: {  	[sflag:s1] =	ssyncset.done @!p0 $0x0  }
0x19e: {  	s31 =	simm.s32 $0x400;
	s21 =	rddreg [dreg:$0x10];
	[sflag:s1] =	ssyncadd.s32 @!p0 $0xFFFFC000  }
0x19f: {  	[hbm4b:s21+s28] =	stream.strided.scatter [tilespmem:s30], [sflag:$0xD], $0x400, s31, s28, $0x38;
	[tilespmem:$0x18B80] =	vst v63  }
0x1a0: {  	_ =	swait.ge [sflag:s23], $0x400  }
0x1a1: {  	[sflag:s23] =	ssyncset.done $0x0  }
0x1a2: {  	s11 =	stileid.u32;
	[sflag:s23] =	ssyncadd.s32 $0xFFFFFC00  }
0x1a3: {  	s1 =	sshll.u32 s11, $0x6;
	[bflag:$0x0] =	sbarrier.arrive $0xFFFF  }
0x1a4: {  	s1 =	sor.u32 $0x1C0D, s1;
	s21 =	sshrl.u32 s22, $0x3;
	s31 =	rddreg [dreg:$0x11]  }
0x1a5: {  	[hbm:s31], [sflag:s1] =	dma.local [spmem:s21], $0x400  }
0x1a6: {  	_ =	swait.ge [sflag:s23], $0x400  }
0x1a7: {  	s21 =	rddreg [dreg:$0x17]  }
0x1a8: {  	s31 =	rddreg [dreg:$0x12];
	s11 =	sadd.s32 $0x1, s21  }
0x1a9: {  	p2 =	sne.s32 s11, s31  }
.Ltmp6:
0x1aa: {  	_ = 	snop;
	(pc) =	sbr.rel @p2 .LBB2_1-.Ltmp6, $3  }
0x1ab: {  	_ =	sdelay $0x1  }
0x1ac: {  	[sflag:s23] =	ssyncset.done $0x0  }
0x1ad: {  	s5 =	simm.s32 $0x10080;
	[sflag:s23] =	ssyncadd.s32 $0xFFFFFC00  }
0x1ae: {  	_ =	sfence.sel $0x180000  }
0x1af: {  	[bflag:$0x0] =	sbarrier.arrive $0xFFFF  }
0x1b0: {  	_ =	strace $0x90000047  }
0x1b1: {  	s0 =	stileid.u32;
	[bflag:$0x2] =	sbarrier.arrive $0xFFFF  }
0x1b2: {  	p0 =	sne.s32 s0, $0x0;
	s0 =	rddreg [dreg:$0x5]  }
0x1b3: {  	s0 =	sadd.s32 @!p0 $0x100000, s0  }
0x1b4: {  	[sflag:s0] =	ssyncadd.tile.s32 @!p0 $0x1;
	_ =	shalt  }
.Lfunc_end2:
_tile_overlayer_lowered:
.L_overlay_start_2:
0x1b5: {  	(tag) =	ssettag $0x2  }
0x1b6: {  	s0 =	rddreg [dreg:$0x0];
	s2 =	stileid.u32  }
0x1b7: {  	s1 =	rddreg [dreg:$0x1];
	p0 =	sne.s32 s2, $0x0  }
0x1b8: {  	s3 =	rddreg [dreg:$0x2];
	[bflag:$0x3] =	sbarrier.arrive $0xFFFF;
	s2 =	simm.s32 @!p0 $0x1C0D  }
0x1b9: {  	[timem:s3], [sflag:s2] =	dma.local @!p0 [hbm:s0], s1  }
0x1ba: {  	s0 =	simm.s32 @!p0 $0xD  }
0x1bb: {  	_ =	swait.ge @!p0 [sflag:s0], s1  }
0x1bc: {  	s1 =	ssub.s32 @!p0 $0x0, s1;
	[sflag:s0] =	ssyncset.done @!p0 $0x0  }
0x1bd: {  	[sflag:s0] =	ssyncadd.s32 @!p0 s1  }
0x1be: {  	[bflag:$0x3] =	sbarrier.arrive $0xFFFF  }
0x1bf: {  	_ =	shalt  }

</sc_bundles>
